<compile_context>
chip_gen: v7x
topology: tpu7x:2x2x1
jax: 0.10.2.dev20260603
libtpu: 0.0.44.dev20260713+nightly
codegen_flags: <defaults>
</compile_context>

<pallas_src>
import math

import jax
import jax.numpy as jnp
from jax import lax
from jax.experimental import pallas as pl
from jax.experimental.pallas import tpu as pltpu
from jax.experimental.pallas import tpu_sc as plsc

D_MODEL = 768
SCALE = math.sqrt(D_MODEL)

NUM_CORES = 2
NUM_SUBCORES = 16
NUM_WORKERS = NUM_CORES * NUM_SUBCORES
LANES = 16

TOTAL_IDS = 4 * 2048
IDS_PER_WORKER = TOTAL_IDS // NUM_WORKERS
CHUNK = 16
NUM_CHUNKS = IDS_PER_WORKER // CHUNK
NBUF = 8
SLICES_PER_ROW = D_MODEL // LANES


def _body(table_hbm, ids_hbm, out_hbm, idx_v, rows3, gsem, osem):
    wid = lax.axis_index("s") * NUM_CORES + lax.axis_index("c")
    base = wid * IDS_PER_WORKER

    pltpu.sync_copy(ids_hbm.at[pl.ds(base, IDS_PER_WORKER)], idx_v)

    def gather(ci, b):
        return pltpu.make_async_copy(
            table_hbm.at[idx_v.at[pl.ds(ci * CHUNK, CHUNK)]],
            rows3.at[b],
            gsem.at[b],
        )

    def writeback(ci, b):
        return pltpu.make_async_copy(
            rows3.at[b],
            out_hbm.at[pl.ds(base + ci * CHUNK, CHUNK)],
            osem.at[b],
        )

    def prime(ci, _):
        gather(ci, lax.rem(ci, NBUF)).start()
        return _

    lax.fori_loop(0, NBUF - 1, prime, 0)

    def chunk_step(ci, _):
        b = lax.rem(ci, NBUF)
        gather(ci, b).wait()

        def scale_row(r, _2):
            def scale_grp(g, _3):
                for jj in range(8):
                    sl = pl.ds(g * (8 * LANES) + jj * LANES, LANES)
                    rows3[b, r, sl] = rows3[b, r, sl] * SCALE
                return _3

            lax.fori_loop(0, SLICES_PER_ROW // 8, scale_grp, 0)
            return _2

        lax.fori_loop(0, CHUNK, scale_row, 0)
        writeback(ci, b).start()

        nxt = ci + NBUF - 1

        @pl.when(nxt < NUM_CHUNKS)
        def _issue():
            nb = lax.rem(nxt, NBUF)

            @pl.when(nxt >= NBUF)
            def _drain():
                writeback(nxt - NBUF, nb).wait()

            gather(nxt, nb).start()

        return _

    lax.fori_loop(0, NUM_CHUNKS, chunk_step, 0)

    def drain(ci, _):
        writeback(ci, lax.rem(ci, NBUF)).wait()
        return _

    lax.fori_loop(NUM_CHUNKS - NBUF, NUM_CHUNKS, drain, 0)


@jax.jit
def _embed(table, ids):
    mesh = plsc.VectorSubcoreMesh(core_axis_name="c", subcore_axis_name="s")
    return pl.kernel(
        _body,
        out_type=jax.ShapeDtypeStruct((TOTAL_IDS, D_MODEL), jnp.float32),
        mesh=mesh,
        scratch_types=[
            pltpu.VMEM((IDS_PER_WORKER,), jnp.int32),
            pltpu.VMEM((NBUF, CHUNK, D_MODEL), jnp.float32),
            pltpu.SemaphoreType.DMA((NBUF,)),
            pltpu.SemaphoreType.DMA((NBUF,)),
        ],
    )(table, ids)


def kernel(token_ids, embedding_table):
    ids = token_ids.reshape(-1).astype(jnp.int32)
    out = _embed(embedding_table, ids)
    return out.reshape(token_ids.shape + (D_MODEL,))

# --- scband reference (transcript-rebuilt; emitter-appended) ---
"""Pipeline reference for scband-input-embedding-75316546502760 (READ-ONLY COPY).

The authoritative reference and input builder live on the scoring server;
editing this copy changes nothing except your own understanding.
"""

import jax, jax.numpy as jnp
import numpy as np
import math

D_MODEL = 768
VOCAB = 50257
BATCH = 4
SEQ = 2048

def setup_inputs(seed: int = 0) -> dict:
    key = jax.random.key(seed)
    k1, k2 = jax.random.split(key)
    token_ids = jax.random.randint(k1, (BATCH, SEQ), 0, VOCAB, dtype=jnp.int64 if jax.config.jax_enable_x64 else jnp.int32)
    embedding_table = jax.random.normal(k2, (VOCAB, D_MODEL), dtype=jnp.float32)
    return {"token_ids": token_ids, "embedding_table": embedding_table}

def reference(token_ids, embedding_table):
    # Faithful to InputEmbedding.forward: embedding lookup then scale by sqrt(d_model).
    # (Tokenization/padding is a host-side preprocessing step; the tensor compute
    # is the nn.Embedding gather on padded token ids, followed by scaling.)
    emb = jnp.take(embedding_table, token_ids, axis=0)
    emb = emb * math.sqrt(D_MODEL)
    return emb

if __name__ == "__main__":
    import jax
    _d = setup_inputs()
    print(jax.jit(kernel)(*tuple(_d.values())))

</pallas_src>

<mosaic_0001>
#map = affine_map<(d0, d1) -> (0, 0)>
#map1 = affine_map<(d0, d1) -> (0)>
module attributes {stable_mosaic.version = 14 : i64} {
  func.func @_body(%arg0: i32, %arg1: i32, %arg2: memref<50257x768xf32, #tpu.memory_space<hbm>>, %arg3: memref<8192xi32, #tpu.memory_space<hbm>>, %arg4: memref<8192x768xf32, #tpu.memory_space<hbm>>, %arg5: memref<256xi32, #tpu.memory_space<vmem>>, %arg6: memref<8x16x768xf32, #tpu.memory_space<vmem>>, %arg7: memref<8x!tpu.dma_semaphore, #tpu.memory_space<semaphore_mem>>, %arg8: memref<8x!tpu.dma_semaphore, #tpu.memory_space<semaphore_mem>>) attributes {dimension_semantics = [#tpu.dimension_semantics<core_parallel>, #tpu.dimension_semantics<subcore_parallel>], iteration_bounds = array<i64: 2, 16>, scalar_prefetch = 0 : i64, scratch_operands = 4 : i64, tpu.core_type = #tpu.core_type<sc_vector_subcore>, window_params = [{transform_indices = #map}, {transform_indices = #map1}, {transform_indices = #map}]} {
    %mul3A = arith.constant 2 : i32
    %mul3A_0 = arith.muli %arg1, %mul3A : i32
    %add3A = arith.addi %mul3A_0, %arg0 : i32
    %mul3A_1 = arith.constant 256 : i32
    %mul3A_2 = arith.muli %add3A, %mul3A_1 : i32
    "tpu.region"() ({
      %run_scoped3A = tpu.sem_alloc : memref<!tpu.dma_semaphore, #tpu.memory_space<semaphore_mem>>
      %dma_start3A = tpu.memref_slice %arg3[%mul3A_2] : memref<8192xi32, #tpu.memory_space<hbm>> -> memref<256xi32, #tpu.memory_space<hbm>>
      %dma_start3A_20 = tpu.memref_slice %arg3[%mul3A_2] : memref<8192xi32, #tpu.memory_space<hbm>> -> memref<256xi32, #tpu.memory_space<hbm>>
      tpu.enqueue_dma source(%dma_start3A_20 : memref<256xi32, #tpu.memory_space<hbm>>) target(%arg5 : memref<256xi32, #tpu.memory_space<vmem>>) target_semaphore(%run_scoped3A : memref<!tpu.dma_semaphore, #tpu.memory_space<semaphore_mem>>)
      %dma_wait3A = tpu.memref_slice %arg3[%mul3A_2] : memref<8192xi32, #tpu.memory_space<hbm>> -> memref<256xi32, #tpu.memory_space<hbm>>
      %dma_wait3A_21 = tpu.memref_slice %arg3[%mul3A_2] : memref<8192xi32, #tpu.memory_space<hbm>> -> memref<256xi32, #tpu.memory_space<hbm>>
      tpu.wait_dma2 semaphore(%run_scoped3A : memref<!tpu.dma_semaphore, #tpu.memory_space<semaphore_mem>>) src(%dma_wait3A_21 : memref<256xi32, #tpu.memory_space<hbm>>) dst(%arg5 : memref<256xi32, #tpu.memory_space<vmem>>)
      tpu.yield
    }) : () -> ()
    %scan3A = arith.constant 0 : i32
    %scan3A_3 = arith.constant 0 : i32
    %scan3A_4 = arith.constant 7 : i32
    %scan3A_5 = arith.addi %scan3A_3, %scan3A_4 : i32
    %scan3A_6 = arith.constant 1 : i32
    scf.for %scan3A_20 = %scan3A_3 to %scan3A_5 step %scan3A_6  : i32 {
      %rem3A = arith.constant 8 : i32
      %rem3A_21 = arith.remsi %scan3A_20, %rem3A : i32
      %mul3A_22 = arith.constant 16 : i32
      %mul3A_23 = arith.muli %scan3A_20, %mul3A_22 : i32
      %dma_start3A = arith.constant 0 : i32
      %dma_start3A_24 = arith.constant 0 : i32
      %dma_start3A_25 = tpu.memref_slice %arg6[%rem3A_21, %dma_start3A, %dma_start3A_24] : memref<8x16x768xf32, #tpu.memory_space<vmem>> -> memref<1x16x768xf32, #tpu.memory_space<vmem>>
      %dma_start3A_26 = tpu.memref_squeeze %dma_start3A_25 : memref<1x16x768xf32, #tpu.memory_space<vmem>> -> memref<16x768xf32, #tpu.memory_space<vmem>>
      %dma_start3A_27 = tpu.memref_slice %arg5[%mul3A_23] : memref<256xi32, #tpu.memory_space<vmem>> -> memref<16xi32, #tpu.memory_space<vmem>>
      %dma_start3A_28 = arith.constant 0 : i32
      %dma_start3A_29 = arith.constant 0 : i32
      %dma_start3A_30 = tpu.memref_slice %arg2[%dma_start3A_28, %dma_start3A_29] : memref<50257x768xf32, #tpu.memory_space<hbm>> -> memref<50257x768xf32, #tpu.memory_space<hbm>>
      %dma_start3A_31 = tpu.memref_slice %arg7[%rem3A_21] : memref<8x!tpu.dma_semaphore, #tpu.memory_space<semaphore_mem>> -> memref<1x!tpu.dma_semaphore, #tpu.memory_space<semaphore_mem>>
      %dma_start3A_32 = tpu.memref_squeeze %dma_start3A_31 : memref<1x!tpu.dma_semaphore, #tpu.memory_space<semaphore_mem>> -> memref<!tpu.dma_semaphore, #tpu.memory_space<semaphore_mem>>
      tpu.enqueue_indirect_dma source(%dma_start3A_30 : memref<50257x768xf32, #tpu.memory_space<hbm>>) target(%dma_start3A_26 : memref<16x768xf32, #tpu.memory_space<vmem>>) offsets(%dma_start3A_27 : memref<16xi32, #tpu.memory_space<vmem>>) semaphore(%dma_start3A_32 : memref<!tpu.dma_semaphore, #tpu.memory_space<semaphore_mem>>)
    }
    %scan3A_7 = arith.constant 7 : i32
    %scan3A_8 = arith.constant 0 : i32
    %scan3A_9 = arith.constant 0 : i32
    %scan3A_10 = arith.constant 16 : i32
    %scan3A_11 = arith.addi %scan3A_9, %scan3A_10 : i32
    %scan3A_12 = arith.constant 1 : i32
    scf.for %scan3A_20 = %scan3A_9 to %scan3A_11 step %scan3A_12  : i32 {
      %rem3A = arith.constant 8 : i32
      %rem3A_21 = arith.remsi %scan3A_20, %rem3A : i32
      %mul3A_22 = arith.constant 16 : i32
      %mul3A_23 = arith.muli %scan3A_20, %mul3A_22 : i32
      %dma_wait3A = arith.constant 0 : i32
      %dma_wait3A_24 = arith.constant 0 : i32
      %dma_wait3A_25 = tpu.memref_slice %arg6[%rem3A_21, %dma_wait3A, %dma_wait3A_24] : memref<8x16x768xf32, #tpu.memory_space<vmem>> -> memref<1x16x768xf32, #tpu.memory_space<vmem>>
      %dma_wait3A_26 = tpu.memref_squeeze %dma_wait3A_25 : memref<1x16x768xf32, #tpu.memory_space<vmem>> -> memref<16x768xf32, #tpu.memory_space<vmem>>
      %dma_wait3A_27 = tpu.memref_slice %arg5[%mul3A_23] : memref<256xi32, #tpu.memory_space<vmem>> -> memref<16xi32, #tpu.memory_space<vmem>>
      %dma_wait3A_28 = arith.constant 0 : i32
      %dma_wait3A_29 = arith.constant 0 : i32
      %dma_wait3A_30 = tpu.memref_slice %arg2[%dma_wait3A_28, %dma_wait3A_29] : memref<50257x768xf32, #tpu.memory_space<hbm>> -> memref<50257x768xf32, #tpu.memory_space<hbm>>
      %dma_wait3A_31 = tpu.memref_slice %arg7[%rem3A_21] : memref<8x!tpu.dma_semaphore, #tpu.memory_space<semaphore_mem>> -> memref<1x!tpu.dma_semaphore, #tpu.memory_space<semaphore_mem>>
      %dma_wait3A_32 = tpu.memref_squeeze %dma_wait3A_31 : memref<1x!tpu.dma_semaphore, #tpu.memory_space<semaphore_mem>> -> memref<!tpu.dma_semaphore, #tpu.memory_space<semaphore_mem>>
      tpu.wait_indirect_dma semaphore(%dma_wait3A_32 : memref<!tpu.dma_semaphore, #tpu.memory_space<semaphore_mem>>) src(%dma_wait3A_30 : memref<50257x768xf32, #tpu.memory_space<hbm>>) dst(%dma_wait3A_26 : memref<16x768xf32, #tpu.memory_space<vmem>>)
      %scan3A_33 = arith.constant 0 : i32
      %scan3A_34 = arith.constant 0 : i32
      %scan3A_35 = arith.constant 16 : i32
      %scan3A_36 = arith.addi %scan3A_34, %scan3A_35 : i32
      %scan3A_37 = arith.constant 1 : i32
      scf.for %scan3A_60 = %scan3A_34 to %scan3A_36 step %scan3A_37  : i32 {
        %scan3A_61 = arith.constant 0 : i32
        %scan3A_62 = arith.constant 0 : i32
        %scan3A_63 = arith.constant 6 : i32
        %scan3A_64 = arith.addi %scan3A_62, %scan3A_63 : i32
        %scan3A_65 = arith.constant 1 : i32
        scf.for %scan3A_67 = %scan3A_62 to %scan3A_64 step %scan3A_65  : i32 {
          %mul3A_68 = arith.constant 128 : i32
          %mul3A_69 = arith.muli %scan3A_67, %mul3A_68 : i32
          %add3A_70 = arith.constant 0 : i32
          %add3A_71 = arith.addi %mul3A_69, %add3A_70 : i32
          %get3A = arith.index_cast %rem3A_21 : i32 to index
          %get3A_72 = arith.index_cast %scan3A_60 : i32 to index
          %get3A_73 = arith.index_cast %add3A_71 : i32 to index
          %get3A_74 = tpu.vector_load %arg6[%get3A, %get3A_72, %get3A_73] {strides = array<i32>} : memref<8x16x768xf32, #tpu.memory_space<vmem>>, vector<1x1x16xf32>,
          %get3A_75 = vector.shape_cast %get3A_74 : vector<1x1x16xf32> to vector<16xf32>
          %mul3A_76 = arith.constant 27.7128124 : f32
          %mul3A_77 = vector.broadcast %mul3A_76 : f32 to vector<16xf32>
          %mul3A_78 = arith.mulf %get3A_75, %mul3A_77 : vector<16xf32>
          %swap3A = arith.index_cast %rem3A_21 : i32 to index
          %swap3A_79 = arith.index_cast %scan3A_60 : i32 to index
          %swap3A_80 = arith.index_cast %add3A_71 : i32 to index
          %swap3A_81 = tpu.vector_load %arg6[%swap3A, %swap3A_79, %swap3A_80] {strides = array<i32>} : memref<8x16x768xf32, #tpu.memory_space<vmem>>, vector<1x1x16xf32>,
          %swap3A_82 = vector.shape_cast %swap3A_81 : vector<1x1x16xf32> to vector<16xf32>
          %swap3A_83 = vector.shape_cast %mul3A_78 : vector<16xf32> to vector<1x1x16xf32>
          tpu.vector_store %arg6[%swap3A, %swap3A_79, %swap3A_80], %swap3A_83 {strides = array<i32>} : memref<8x16x768xf32, #tpu.memory_space<vmem>>, vector<1x1x16xf32>,
          %mul3A_84 = arith.constant 128 : i32
          %mul3A_85 = arith.muli %scan3A_67, %mul3A_84 : i32
          %add3A_86 = arith.constant 16 : i32
          %add3A_87 = arith.addi %mul3A_85, %add3A_86 : i32
          %get3A_88 = arith.index_cast %rem3A_21 : i32 to index
          %get3A_89 = arith.index_cast %scan3A_60 : i32 to index
          %get3A_90 = arith.index_cast %add3A_87 : i32 to index
          %get3A_91 = tpu.vector_load %arg6[%get3A_88, %get3A_89, %get3A_90] {strides = array<i32>} : memref<8x16x768xf32, #tpu.memory_space<vmem>>, vector<1x1x16xf32>,
          %get3A_92 = vector.shape_cast %get3A_91 : vector<1x1x16xf32> to vector<16xf32>
          %mul3A_93 = arith.constant 27.7128124 : f32
          %mul3A_94 = vector.broadcast %mul3A_93 : f32 to vector<16xf32>
          %mul3A_95 = arith.mulf %get3A_92, %mul3A_94 : vector<16xf32>
          %swap3A_96 = arith.index_cast %rem3A_21 : i32 to index
          %swap3A_97 = arith.index_cast %scan3A_60 : i32 to index
          %swap3A_98 = arith.index_cast %add3A_87 : i32 to index
          %swap3A_99 = tpu.vector_load %arg6[%swap3A_96, %swap3A_97, %swap3A_98] {strides = array<i32>} : memref<8x16x768xf32, #tpu.memory_space<vmem>>, vector<1x1x16xf32>,
          %swap3A_100 = vector.shape_cast %swap3A_99 : vector<1x1x16xf32> to vector<16xf32>
          %swap3A_101 = vector.shape_cast %mul3A_95 : vector<16xf32> to vector<1x1x16xf32>
          tpu.vector_store %arg6[%swap3A_96, %swap3A_97, %swap3A_98], %swap3A_101 {strides = array<i32>} : memref<8x16x768xf32, #tpu.memory_space<vmem>>, vector<1x1x16xf32>,
          %mul3A_102 = arith.constant 128 : i32
          %mul3A_103 = arith.muli %scan3A_67, %mul3A_102 : i32
          %add3A_104 = arith.constant 32 : i32
          %add3A_105 = arith.addi %mul3A_103, %add3A_104 : i32
          %get3A_106 = arith.index_cast %rem3A_21 : i32 to index
          %get3A_107 = arith.index_cast %scan3A_60 : i32 to index
          %get3A_108 = arith.index_cast %add3A_105 : i32 to index
          %get3A_109 = tpu.vector_load %arg6[%get3A_106, %get3A_107, %get3A_108] {strides = array<i32>} : memref<8x16x768xf32, #tpu.memory_space<vmem>>, vector<1x1x16xf32>,
          %get3A_110 = vector.shape_cast %get3A_109 : vector<1x1x16xf32> to vector<16xf32>
          %mul3A_111 = arith.constant 27.7128124 : f32
          %mul3A_112 = vector.broadcast %mul3A_111 : f32 to vector<16xf32>
          %mul3A_113 = arith.mulf %get3A_110, %mul3A_112 : vector<16xf32>
          %swap3A_114 = arith.index_cast %rem3A_21 : i32 to index
          %swap3A_115 = arith.index_cast %scan3A_60 : i32 to index
          %swap3A_116 = arith.index_cast %add3A_105 : i32 to index
          %swap3A_117 = tpu.vector_load %arg6[%swap3A_114, %swap3A_115, %swap3A_116] {strides = array<i32>} : memref<8x16x768xf32, #tpu.memory_space<vmem>>, vector<1x1x16xf32>,
          %swap3A_118 = vector.shape_cast %swap3A_117 : vector<1x1x16xf32> to vector<16xf32>
          %swap3A_119 = vector.shape_cast %mul3A_113 : vector<16xf32> to vector<1x1x16xf32>
          tpu.vector_store %arg6[%swap3A_114, %swap3A_115, %swap3A_116], %swap3A_119 {strides = array<i32>} : memref<8x16x768xf32, #tpu.memory_space<vmem>>, vector<1x1x16xf32>,
          %mul3A_120 = arith.constant 128 : i32
          %mul3A_121 = arith.muli %scan3A_67, %mul3A_120 : i32
          %add3A_122 = arith.constant 48 : i32
          %add3A_123 = arith.addi %mul3A_121, %add3A_122 : i32
          %get3A_124 = arith.index_cast %rem3A_21 : i32 to index
          %get3A_125 = arith.index_cast %scan3A_60 : i32 to index
          %get3A_126 = arith.index_cast %add3A_123 : i32 to index
          %get3A_127 = tpu.vector_load %arg6[%get3A_124, %get3A_125, %get3A_126] {strides = array<i32>} : memref<8x16x768xf32, #tpu.memory_space<vmem>>, vector<1x1x16xf32>,
          %get3A_128 = vector.shape_cast %get3A_127 : vector<1x1x16xf32> to vector<16xf32>
          %mul3A_129 = arith.constant 27.7128124 : f32
          %mul3A_130 = vector.broadcast %mul3A_129 : f32 to vector<16xf32>
          %mul3A_131 = arith.mulf %get3A_128, %mul3A_130 : vector<16xf32>
          %swap3A_132 = arith.index_cast %rem3A_21 : i32 to index
          %swap3A_133 = arith.index_cast %scan3A_60 : i32 to index
          %swap3A_134 = arith.index_cast %add3A_123 : i32 to index
          %swap3A_135 = tpu.vector_load %arg6[%swap3A_132, %swap3A_133, %swap3A_134] {strides = array<i32>} : memref<8x16x768xf32, #tpu.memory_space<vmem>>, vector<1x1x16xf32>,
          %swap3A_136 = vector.shape_cast %swap3A_135 : vector<1x1x16xf32> to vector<16xf32>
          %swap3A_137 = vector.shape_cast %mul3A_131 : vector<16xf32> to vector<1x1x16xf32>
          tpu.vector_store %arg6[%swap3A_132, %swap3A_133, %swap3A_134], %swap3A_137 {strides = array<i32>} : memref<8x16x768xf32, #tpu.memory_space<vmem>>, vector<1x1x16xf32>,
          %mul3A_138 = arith.constant 128 : i32
          %mul3A_139 = arith.muli %scan3A_67, %mul3A_138 : i32
          %add3A_140 = arith.constant 64 : i32
          %add3A_141 = arith.addi %mul3A_139, %add3A_140 : i32
          %get3A_142 = arith.index_cast %rem3A_21 : i32 to index
          %get3A_143 = arith.index_cast %scan3A_60 : i32 to index
          %get3A_144 = arith.index_cast %add3A_141 : i32 to index
          %get3A_145 = tpu.vector_load %arg6[%get3A_142, %get3A_143, %get3A_144] {strides = array<i32>} : memref<8x16x768xf32, #tpu.memory_space<vmem>>, vector<1x1x16xf32>,
          %get3A_146 = vector.shape_cast %get3A_145 : vector<1x1x16xf32> to vector<16xf32>
          %mul3A_147 = arith.constant 27.7128124 : f32
          %mul3A_148 = vector.broadcast %mul3A_147 : f32 to vector<16xf32>
          %mul3A_149 = arith.mulf %get3A_146, %mul3A_148 : vector<16xf32>
          %swap3A_150 = arith.index_cast %rem3A_21 : i32 to index
          %swap3A_151 = arith.index_cast %scan3A_60 : i32 to index
          %swap3A_152 = arith.index_cast %add3A_141 : i32 to index
          %swap3A_153 = tpu.vector_load %arg6[%swap3A_150, %swap3A_151, %swap3A_152] {strides = array<i32>} : memref<8x16x768xf32, #tpu.memory_space<vmem>>, vector<1x1x16xf32>,
          %swap3A_154 = vector.shape_cast %swap3A_153 : vector<1x1x16xf32> to vector<16xf32>
          %swap3A_155 = vector.shape_cast %mul3A_149 : vector<16xf32> to vector<1x1x16xf32>
          tpu.vector_store %arg6[%swap3A_150, %swap3A_151, %swap3A_152], %swap3A_155 {strides = array<i32>} : memref<8x16x768xf32, #tpu.memory_space<vmem>>, vector<1x1x16xf32>,
          %mul3A_156 = arith.constant 128 : i32
          %mul3A_157 = arith.muli %scan3A_67, %mul3A_156 : i32
          %add3A_158 = arith.constant 80 : i32
          %add3A_159 = arith.addi %mul3A_157, %add3A_158 : i32
          %get3A_160 = arith.index_cast %rem3A_21 : i32 to index
          %get3A_161 = arith.index_cast %scan3A_60 : i32 to index
          %get3A_162 = arith.index_cast %add3A_159 : i32 to index
          %get3A_163 = tpu.vector_load %arg6[%get3A_160, %get3A_161, %get3A_162] {strides = array<i32>} : memref<8x16x768xf32, #tpu.memory_space<vmem>>, vector<1x1x16xf32>,
          %get3A_164 = vector.shape_cast %get3A_163 : vector<1x1x16xf32> to vector<16xf32>
          %mul3A_165 = arith.constant 27.7128124 : f32
          %mul3A_166 = vector.broadcast %mul3A_165 : f32 to vector<16xf32>
          %mul3A_167 = arith.mulf %get3A_164, %mul3A_166 : vector<16xf32>
          %swap3A_168 = arith.index_cast %rem3A_21 : i32 to index
          %swap3A_169 = arith.index_cast %scan3A_60 : i32 to index
          %swap3A_170 = arith.index_cast %add3A_159 : i32 to index
          %swap3A_171 = tpu.vector_load %arg6[%swap3A_168, %swap3A_169, %swap3A_170] {strides = array<i32>} : memref<8x16x768xf32, #tpu.memory_space<vmem>>, vector<1x1x16xf32>,
          %swap3A_172 = vector.shape_cast %swap3A_171 : vector<1x1x16xf32> to vector<16xf32>
          %swap3A_173 = vector.shape_cast %mul3A_167 : vector<16xf32> to vector<1x1x16xf32>
          tpu.vector_store %arg6[%swap3A_168, %swap3A_169, %swap3A_170], %swap3A_173 {strides = array<i32>} : memref<8x16x768xf32, #tpu.memory_space<vmem>>, vector<1x1x16xf32>,
          %mul3A_174 = arith.constant 128 : i32
          %mul3A_175 = arith.muli %scan3A_67, %mul3A_174 : i32
          %add3A_176 = arith.constant 96 : i32
          %add3A_177 = arith.addi %mul3A_175, %add3A_176 : i32
          %get3A_178 = arith.index_cast %rem3A_21 : i32 to index
          %get3A_179 = arith.index_cast %scan3A_60 : i32 to index
          %get3A_180 = arith.index_cast %add3A_177 : i32 to index
          %get3A_181 = tpu.vector_load %arg6[%get3A_178, %get3A_179, %get3A_180] {strides = array<i32>} : memref<8x16x768xf32, #tpu.memory_space<vmem>>, vector<1x1x16xf32>,
          %get3A_182 = vector.shape_cast %get3A_181 : vector<1x1x16xf32> to vector<16xf32>
          %mul3A_183 = arith.constant 27.7128124 : f32
          %mul3A_184 = vector.broadcast %mul3A_183 : f32 to vector<16xf32>
          %mul3A_185 = arith.mulf %get3A_182, %mul3A_184 : vector<16xf32>
          %swap3A_186 = arith.index_cast %rem3A_21 : i32 to index
          %swap3A_187 = arith.index_cast %scan3A_60 : i32 to index
          %swap3A_188 = arith.index_cast %add3A_177 : i32 to index
          %swap3A_189 = tpu.vector_load %arg6[%swap3A_186, %swap3A_187, %swap3A_188] {strides = array<i32>} : memref<8x16x768xf32, #tpu.memory_space<vmem>>, vector<1x1x16xf32>,
          %swap3A_190 = vector.shape_cast %swap3A_189 : vector<1x1x16xf32> to vector<16xf32>
          %swap3A_191 = vector.shape_cast %mul3A_185 : vector<16xf32> to vector<1x1x16xf32>
          tpu.vector_store %arg6[%swap3A_186, %swap3A_187, %swap3A_188], %swap3A_191 {strides = array<i32>} : memref<8x16x768xf32, #tpu.memory_space<vmem>>, vector<1x1x16xf32>,
          %mul3A_192 = arith.constant 128 : i32
          %mul3A_193 = arith.muli %scan3A_67, %mul3A_192 : i32
          %add3A_194 = arith.constant 112 : i32
          %add3A_195 = arith.addi %mul3A_193, %add3A_194 : i32
          %get3A_196 = arith.index_cast %rem3A_21 : i32 to index
          %get3A_197 = arith.index_cast %scan3A_60 : i32 to index
          %get3A_198 = arith.index_cast %add3A_195 : i32 to index
          %get3A_199 = tpu.vector_load %arg6[%get3A_196, %get3A_197, %get3A_198] {strides = array<i32>} : memref<8x16x768xf32, #tpu.memory_space<vmem>>, vector<1x1x16xf32>,
          %get3A_200 = vector.shape_cast %get3A_199 : vector<1x1x16xf32> to vector<16xf32>
          %mul3A_201 = arith.constant 27.7128124 : f32
          %mul3A_202 = vector.broadcast %mul3A_201 : f32 to vector<16xf32>
          %mul3A_203 = arith.mulf %get3A_200, %mul3A_202 : vector<16xf32>
          %swap3A_204 = arith.index_cast %rem3A_21 : i32 to index
          %swap3A_205 = arith.index_cast %scan3A_60 : i32 to index
          %swap3A_206 = arith.index_cast %add3A_195 : i32 to index
          %swap3A_207 = tpu.vector_load %arg6[%swap3A_204, %swap3A_205, %swap3A_206] {strides = array<i32>} : memref<8x16x768xf32, #tpu.memory_space<vmem>>, vector<1x1x16xf32>,
          %swap3A_208 = vector.shape_cast %swap3A_207 : vector<1x1x16xf32> to vector<16xf32>
          %swap3A_209 = vector.shape_cast %mul3A_203 : vector<16xf32> to vector<1x1x16xf32>
          tpu.vector_store %arg6[%swap3A_204, %swap3A_205, %swap3A_206], %swap3A_209 {strides = array<i32>} : memref<8x16x768xf32, #tpu.memory_space<vmem>>, vector<1x1x16xf32>,
        }
        %scan3A_66 = arith.constant 6 : i32
      }
      %scan3A_38 = arith.constant 16 : i32
      %mul3A_39 = arith.constant 16 : i32
      %mul3A_40 = arith.muli %scan3A_20, %mul3A_39 : i32
      %add3A_41 = arith.addi %mul3A_2, %mul3A_40 : i32
      %dma_start3A = arith.constant 0 : i32
      %dma_start3A_42 = arith.constant 0 : i32
      %dma_start3A_43 = tpu.memref_slice %arg6[%rem3A_21, %dma_start3A, %dma_start3A_42] : memref<8x16x768xf32, #tpu.memory_space<vmem>> -> memref<1x16x768xf32, #tpu.memory_space<vmem>>
      %dma_start3A_44 = tpu.memref_squeeze %dma_start3A_43 : memref<1x16x768xf32, #tpu.memory_space<vmem>> -> memref<16x768xf32, #tpu.memory_space<vmem>>
      %dma_start3A_45 = arith.constant 0 : i32
      %dma_start3A_46 = tpu.memref_slice %arg4[%add3A_41, %dma_start3A_45] : memref<8192x768xf32, #tpu.memory_space<hbm>> -> memref<16x768xf32, #tpu.memory_space<hbm>>
      %dma_start3A_47 = tpu.memref_slice %arg8[%rem3A_21] : memref<8x!tpu.dma_semaphore, #tpu.memory_space<semaphore_mem>> -> memref<1x!tpu.dma_semaphore, #tpu.memory_space<semaphore_mem>>
      %dma_start3A_48 = tpu.memref_squeeze %dma_start3A_47 : memref<1x!tpu.dma_semaphore, #tpu.memory_space<semaphore_mem>> -> memref<!tpu.dma_semaphore, #tpu.memory_space<semaphore_mem>>
      %dma_start3A_49 = arith.constant 0 : i32
      %dma_start3A_50 = tpu.memref_slice %arg4[%add3A_41, %dma_start3A_49] : memref<8192x768xf32, #tpu.memory_space<hbm>> -> memref<16x768xf32, #tpu.memory_space<hbm>>
      %dma_start3A_51 = arith.constant 0 : i32
      %dma_start3A_52 = arith.constant 0 : i32
      %dma_start3A_53 = tpu.memref_slice %arg6[%rem3A_21, %dma_start3A_51, %dma_start3A_52] : memref<8x16x768xf32, #tpu.memory_space<vmem>> -> memref<1x16x768xf32, #tpu.memory_space<vmem>>
      %dma_start3A_54 = tpu.memref_squeeze %dma_start3A_53 : memref<1x16x768xf32, #tpu.memory_space<vmem>> -> memref<16x768xf32, #tpu.memory_space<vmem>>
      tpu.enqueue_dma source(%dma_start3A_54 : memref<16x768xf32, #tpu.memory_space<vmem>>) target(%dma_start3A_50 : memref<16x768xf32, #tpu.memory_space<hbm>>) target_semaphore(%dma_start3A_48 : memref<!tpu.dma_semaphore, #tpu.memory_space<semaphore_mem>>)
      %add3A_55 = arith.constant 8 : i32
      %add3A_56 = arith.addi %scan3A_20, %add3A_55 : i32
      %sub3A = arith.constant 1 : i32
      %sub3A_57 = arith.subi %add3A_56, %sub3A : i32
      %lt3A = arith.constant 16 : i32
      %lt3A_58 = arith.cmpi slt, %sub3A_57, %lt3A : i32
      %convert_element_type3A = arith.extui %lt3A_58 : i1 to i32
      %cond3A = arith.constant 0 : i32
      %cond3A_59 = arith.cmpi ne, %convert_element_type3A, %cond3A : i32
      scf.if %cond3A_59 {
        %rem3A_60 = arith.constant 8 : i32
        %rem3A_61 = arith.remsi %sub3A_57, %rem3A_60 : i32
        %ge3A = arith.constant 8 : i32
        %ge3A_62 = arith.cmpi sge, %sub3A_57, %ge3A : i32
        %convert_element_type3A_63 = arith.extui %ge3A_62 : i1 to i32
        %cond3A_64 = arith.constant 0 : i32
        %cond3A_65 = arith.cmpi ne, %convert_element_type3A_63, %cond3A_64 : i32
        scf.if %cond3A_65 {
          %sub3A_78 = arith.constant 8 : i32
          %sub3A_79 = arith.subi %sub3A_57, %sub3A_78 : i32
          %mul3A_80 = arith.constant 16 : i32
          %mul3A_81 = arith.muli %sub3A_79, %mul3A_80 : i32
          %add3A_82 = arith.addi %mul3A_2, %mul3A_81 : i32
          %dma_wait3A_83 = arith.constant 0 : i32
          %dma_wait3A_84 = arith.constant 0 : i32
          %dma_wait3A_85 = tpu.memref_slice %arg6[%rem3A_61, %dma_wait3A_83, %dma_wait3A_84] : memref<8x16x768xf32, #tpu.memory_space<vmem>> -> memref<1x16x768xf32, #tpu.memory_space<vmem>>
          %dma_wait3A_86 = tpu.memref_squeeze %dma_wait3A_85 : memref<1x16x768xf32, #tpu.memory_space<vmem>> -> memref<16x768xf32, #tpu.memory_space<vmem>>
          %dma_wait3A_87 = arith.constant 0 : i32
          %dma_wait3A_88 = tpu.memref_slice %arg4[%add3A_82, %dma_wait3A_87] : memref<8192x768xf32, #tpu.memory_space<hbm>> -> memref<16x768xf32, #tpu.memory_space<hbm>>
          %dma_wait3A_89 = tpu.memref_slice %arg8[%rem3A_61] : memref<8x!tpu.dma_semaphore, #tpu.memory_space<semaphore_mem>> -> memref<1x!tpu.dma_semaphore, #tpu.memory_space<semaphore_mem>>
          %dma_wait3A_90 = tpu.memref_squeeze %dma_wait3A_89 : memref<1x!tpu.dma_semaphore, #tpu.memory_space<semaphore_mem>> -> memref<!tpu.dma_semaphore, #tpu.memory_space<semaphore_mem>>
          %dma_wait3A_91 = arith.constant 0 : i32
          %dma_wait3A_92 = tpu.memref_slice %arg4[%add3A_82, %dma_wait3A_91] : memref<8192x768xf32, #tpu.memory_space<hbm>> -> memref<16x768xf32, #tpu.memory_space<hbm>>
          %dma_wait3A_93 = arith.constant 0 : i32
          %dma_wait3A_94 = arith.constant 0 : i32
          %dma_wait3A_95 = tpu.memref_slice %arg6[%rem3A_61, %dma_wait3A_93, %dma_wait3A_94] : memref<8x16x768xf32, #tpu.memory_space<vmem>> -> memref<1x16x768xf32, #tpu.memory_space<vmem>>
          %dma_wait3A_96 = tpu.memref_squeeze %dma_wait3A_95 : memref<1x16x768xf32, #tpu.memory_space<vmem>> -> memref<16x768xf32, #tpu.memory_space<vmem>>
          tpu.wait_dma2 semaphore(%dma_wait3A_90 : memref<!tpu.dma_semaphore, #tpu.memory_space<semaphore_mem>>) src(%dma_wait3A_96 : memref<16x768xf32, #tpu.memory_space<vmem>>) dst(%dma_wait3A_92 : memref<16x768xf32, #tpu.memory_space<hbm>>)
        } else {
        }
        %mul3A_66 = arith.constant 16 : i32
        %mul3A_67 = arith.muli %sub3A_57, %mul3A_66 : i32
        %dma_start3A_68 = arith.constant 0 : i32
        %dma_start3A_69 = arith.constant 0 : i32
        %dma_start3A_70 = tpu.memref_slice %arg6[%rem3A_61, %dma_start3A_68, %dma_start3A_69] : memref<8x16x768xf32, #tpu.memory_space<vmem>> -> memref<1x16x768xf32, #tpu.memory_space<vmem>>
        %dma_start3A_71 = tpu.memref_squeeze %dma_start3A_70 : memref<1x16x768xf32, #tpu.memory_space<vmem>> -> memref<16x768xf32, #tpu.memory_space<vmem>>
        %dma_start3A_72 = tpu.memref_slice %arg5[%mul3A_67] : memref<256xi32, #tpu.memory_space<vmem>> -> memref<16xi32, #tpu.memory_space<vmem>>
        %dma_start3A_73 = arith.constant 0 : i32
        %dma_start3A_74 = arith.constant 0 : i32
        %dma_start3A_75 = tpu.memref_slice %arg2[%dma_start3A_73, %dma_start3A_74] : memref<50257x768xf32, #tpu.memory_space<hbm>> -> memref<50257x768xf32, #tpu.memory_space<hbm>>
        %dma_start3A_76 = tpu.memref_slice %arg7[%rem3A_61] : memref<8x!tpu.dma_semaphore, #tpu.memory_space<semaphore_mem>> -> memref<1x!tpu.dma_semaphore, #tpu.memory_space<semaphore_mem>>
        %dma_start3A_77 = tpu.memref_squeeze %dma_start3A_76 : memref<1x!tpu.dma_semaphore, #tpu.memory_space<semaphore_mem>> -> memref<!tpu.dma_semaphore, #tpu.memory_space<semaphore_mem>>
        tpu.enqueue_indirect_dma source(%dma_start3A_75 : memref<50257x768xf32, #tpu.memory_space<hbm>>) target(%dma_start3A_71 : memref<16x768xf32, #tpu.memory_space<vmem>>) offsets(%dma_start3A_72 : memref<16xi32, #tpu.memory_space<vmem>>) semaphore(%dma_start3A_77 : memref<!tpu.dma_semaphore, #tpu.memory_space<semaphore_mem>>)
      } else {
      }
    }
    %scan3A_13 = arith.constant 16 : i32
    %scan3A_14 = arith.constant 0 : i32
    %scan3A_15 = arith.constant 8 : i32
    %scan3A_16 = arith.constant 8 : i32
    %scan3A_17 = arith.addi %scan3A_15, %scan3A_16 : i32
    %scan3A_18 = arith.constant 1 : i32
    scf.for %scan3A_20 = %scan3A_15 to %scan3A_17 step %scan3A_18  : i32 {
      %rem3A = arith.constant 8 : i32
      %rem3A_21 = arith.remsi %scan3A_20, %rem3A : i32
      %mul3A_22 = arith.constant 16 : i32
      %mul3A_23 = arith.muli %scan3A_20, %mul3A_22 : i32
      %add3A_24 = arith.addi %mul3A_2, %mul3A_23 : i32
      %dma_wait3A = arith.constant 0 : i32
      %dma_wait3A_25 = arith.constant 0 : i32
      %dma_wait3A_26 = tpu.memref_slice %arg6[%rem3A_21, %dma_wait3A, %dma_wait3A_25] : memref<8x16x768xf32, #tpu.memory_space<vmem>> -> memref<1x16x768xf32, #tpu.memory_space<vmem>>
      %dma_wait3A_27 = tpu.memref_squeeze %dma_wait3A_26 : memref<1x16x768xf32, #tpu.memory_space<vmem>> -> memref<16x768xf32, #tpu.memory_space<vmem>>
      %dma_wait3A_28 = arith.constant 0 : i32
      %dma_wait3A_29 = tpu.memref_slice %arg4[%add3A_24, %dma_wait3A_28] : memref<8192x768xf32, #tpu.memory_space<hbm>> -> memref<16x768xf32, #tpu.memory_space<hbm>>
      %dma_wait3A_30 = tpu.memref_slice %arg8[%rem3A_21] : memref<8x!tpu.dma_semaphore, #tpu.memory_space<semaphore_mem>> -> memref<1x!tpu.dma_semaphore, #tpu.memory_space<semaphore_mem>>
      %dma_wait3A_31 = tpu.memref_squeeze %dma_wait3A_30 : memref<1x!tpu.dma_semaphore, #tpu.memory_space<semaphore_mem>> -> memref<!tpu.dma_semaphore, #tpu.memory_space<semaphore_mem>>
      %dma_wait3A_32 = arith.constant 0 : i32
      %dma_wait3A_33 = tpu.memref_slice %arg4[%add3A_24, %dma_wait3A_32] : memref<8192x768xf32, #tpu.memory_space<hbm>> -> memref<16x768xf32, #tpu.memory_space<hbm>>
      %dma_wait3A_34 = arith.constant 0 : i32
      %dma_wait3A_35 = arith.constant 0 : i32
      %dma_wait3A_36 = tpu.memref_slice %arg6[%rem3A_21, %dma_wait3A_34, %dma_wait3A_35] : memref<8x16x768xf32, #tpu.memory_space<vmem>> -> memref<1x16x768xf32, #tpu.memory_space<vmem>>
      %dma_wait3A_37 = tpu.memref_squeeze %dma_wait3A_36 : memref<1x16x768xf32, #tpu.memory_space<vmem>> -> memref<16x768xf32, #tpu.memory_space<vmem>>
      tpu.wait_dma2 semaphore(%dma_wait3A_31 : memref<!tpu.dma_semaphore, #tpu.memory_space<semaphore_mem>>) src(%dma_wait3A_37 : memref<16x768xf32, #tpu.memory_space<vmem>>) dst(%dma_wait3A_33 : memref<16x768xf32, #tpu.memory_space<hbm>>)
    }
    %scan3A_19 = arith.constant 8 : i32
    return
  }
}

</mosaic_0001>

<sc_bundles>
// kernel: _embed.3.cloned.1.call-start
scs
__scs_entry_jumppad:
0x0: {  	(pc) =	sbr.rel $0x88, $3  }
0x1: {  	(tag) =	ssettag $0x0;
	lr =	simm.s32 $0x1  }
0x2: {  	[smem:$0x3F9F] =	sst lr;
	_ =	strace $0xD0000000  }
0x3: {  	_ = 	snop  }
0x4: {  	_ = 	snop  }
0x5: {  	_ = 	snop  }
0x6: {  	_ = 	snop  }
0x7: {  	_ = 	snop  }
__scs_overlays_trampoline_lowered:
0x8: {  	[smem:$0x3FAE] =	sst s0  }
0x9: {  	[smem:$0x3FAF] =	sst s1  }
0xa: {  	[smem:$0x3FB0] =	sst s2  }
0xb: {  	[smem:$0x3FB1] =	sst s3  }
0xc: {  	[smem:$0x3FB2] =	sst s4  }
0xd: {  	[smem:$0x3FB3] =	sst s5  }
0xe: {  	[smem:$0x3FB4] =	sst s6  }
0xf: {  	[smem:$0x3FB5] =	sst s7  }
0x10: {  	[smem:$0x3FB6] =	sst s8  }
0x11: {  	[smem:$0x3FB7] =	sst s9;
	s0 =	simm.s32 @!p0 $0x0  }
0x12: {  	s1 =	sld [smem:$0x3F9D];
	s0 =	simm.s32 @p0 $0x1  }
0x13: {  	[smem:$0x3FB8] =	sst s0;
	s0 =	simm.s32 @!p1 $0x0  }
0x14: {  	s2 =	sld [smem:$0x3F9C];
	s0 =	simm.s32 @p1 $0x1  }
0x15: {  	[smem:$0x3FB9] =	sst s0;
	s0 =	simm.s32 @!p2 $0x0  }
0x16: {  	s3 =	sld [smem:$0x3FDB];
	s0 =	simm.s32 @p2 $0x1  }
0x17: {  	s4 =	simm.s32 $0x1BF5;
	[smem:$0x3FBB] =	sst s0  }
0x18: {  	s0 =	sld [smem:$0x3F9E];
	_ =	swait.ge [sflag:s4], $0x0  }
0x19: {  	s7 =	sld [smem:$0x3F9F]  }
0x1a: {  	s8 =	sadd.s32 $0xFFFFE003, lr  }
0x1b: {  	s9 =	sadd.s32 $0xFFFFFEF7, lr;
	s5 =	simm.s32 $0xFFFFFFFF;
	p2 =	slt.u32 s8, $0xFFFFF086  }
0x1c: {  	p1 =	slt.u32 s9, $0xF7A;
	s5 =	simm.s32 @!p2 $0x0  }
0x1d: {  	s5 =	simm.s32 @p1 $0x1;
	p0 =	seq.s32 s7, s2  }
0x1e: {  	s7 =	smul.u32 @!p0 $0xF7A, s2;
	p2 =	seq.s32 @!p0 s5, $0x0  }
0x1f: {  	s9 =	smul.u32 $0xF7A, s1;
	s8 =	simm.s32 @!p0 $0x1BF5;
	p2 =	por !p2, p0  }
0x20: {  	[sflag:s8] =	ssyncset.s32 @!p0 $0xFFFFF086;
	s6 =	sadd.s32 @!p0 s3, s7;
	s7 =	simm.s32 @!p0 $0x108  }
0x21: {  	s3 =	sadd.s32 s3, s9;
	s6 =	sadd.s32 @!p0 $0x88, s6;
	s7 =	simm.s32 @p2 $0x1082  }
0x22: {  	[simem:s7], [sflag:s8] =	dma.local @!p0 [hbm:s6], $0xF7A  }
0x23: {  	s9 =	sor.u32 $0xD0000000, s2;
	s6 =	simm.s32 $0x108;
	_ =	swait.ge @!p0 [sflag:s8], $0x0  }
0x24: {  	s3 =	sadd.s32 $0x88, s3;
	s6 =	simm.s32 @!p1 $0x1082;
	[sflag:s4] =	ssyncset.s32 $0xFFFFF086  }
0x25: {  	[simem:s6], [sflag:s4] =	dma.local [hbm:s3], $0xF7A  }
0x26: {  	[smem:$0x3F9F] =	sst s1;
	(tag) =	ssettag s2;
	_ =	strace s9  }
0x27: {  	s1 =	sld [smem:$0x3FAF]  }
0x28: {  	s2 =	sld [smem:$0x3FB0]  }
0x29: {  	s4 =	sld [smem:$0x3FB2]  }
0x2a: {  	p0 =	seq.s32 s5, $0x0;
	s5 =	sld [smem:$0x3FB3]  }
0x2b: {  	s6 =	sld [smem:$0x3FB4]  }
0x2c: {  	s7 =	sld [smem:$0x3FB5]  }
0x2d: {  	s3 =	simm.s32 $0x108;
	s8 =	sld [smem:$0x3FB6]  }
0x2e: {  	s3 =	simm.s32 @!p0 $0x1082;
	s9 =	sld [smem:$0x3FB7]  }
0x2f: {  	lr =	sadd.s32 s0, s3;
	s0 =	sld [smem:$0x3FAE]  }
0x30: {  	s3 =	sld [smem:$0x3FB1]  }
0x31: {  	[smem:$0x3FBA] =	sst s10  }
0x32: {  	s10 =	sld [smem:$0x3FB8];
	_ =	sdelay $0x3  }
0x33: {  	p0 =	seq.s32 s10, $0x1;
	s10 =	sld [smem:$0x3FBA];
	_ =	sdelay $0x3  }
0x34: {  	[smem:$0x3FBA] =	sst s10  }
0x35: {  	s10 =	sld [smem:$0x3FB9];
	_ =	sdelay $0x3  }
0x36: {  	p1 =	seq.s32 s10, $0x1;
	s10 =	sld [smem:$0x3FBA];
	_ =	sdelay $0x3  }
0x37: {  	[smem:$0x3FBA] =	sst s10  }
0x38: {  	s10 =	sld [smem:$0x3FBB]  }
0x39: {  	_ = 	snop;
	(pc) =	sbr.ind lr, $3  }
0x3a: {  	_ = 	snop  }
0x3b: {  	_ = 	snop  }
0x3c: {  	p2 =	seq.s32 s10, $0x1;
	s10 =	sld [smem:$0x3FBA]  }
0x3d: {  	_ =	shalt  }
0x3e: {  	_ =	shalt  }
0x3f: {  	_ =	shalt  }
0x40: {  	_ =	shalt  }
0x41: {  	_ =	shalt  }
0x42: {  	_ =	shalt  }
0x43: {  	_ =	shalt  }
0x44: {  	_ =	shalt  }
0x45: {  	_ =	shalt  }
0x46: {  	_ =	shalt  }
0x47: {  	_ =	shalt  }
0x48: {  	_ =	shalt  }
0x49: {  	_ =	shalt  }
0x4a: {  	_ =	shalt  }
0x4b: {  	_ =	shalt  }
0x4c: {  	_ =	shalt  }
0x4d: {  	_ =	shalt  }
0x4e: {  	_ =	shalt  }
0x4f: {  	_ =	shalt  }
0x50: {  	_ =	shalt  }
0x51: {  	_ =	shalt  }
0x52: {  	_ =	shalt  }
0x53: {  	_ =	shalt  }
0x54: {  	_ =	shalt  }
0x55: {  	_ =	shalt  }
0x56: {  	_ =	shalt  }
0x57: {  	_ =	shalt  }
0x58: {  	_ =	shalt  }
0x59: {  	_ =	shalt  }
0x5a: {  	_ =	shalt  }
0x5b: {  	_ =	shalt  }
0x5c: {  	_ =	shalt  }
0x5d: {  	_ =	shalt  }
0x5e: {  	_ =	shalt  }
0x5f: {  	_ =	shalt  }
0x60: {  	_ =	shalt  }
0x61: {  	_ =	shalt  }
0x62: {  	_ =	shalt  }
0x63: {  	_ =	shalt  }
0x64: {  	_ =	shalt  }
0x65: {  	_ =	shalt  }
0x66: {  	_ =	shalt  }
0x67: {  	_ =	shalt  }
0x68: {  	_ =	shalt  }
0x69: {  	_ =	shalt  }
0x6a: {  	_ =	shalt  }
0x6b: {  	_ =	shalt  }
0x6c: {  	_ =	shalt  }
0x6d: {  	_ =	shalt  }
0x6e: {  	_ =	shalt  }
0x6f: {  	_ =	shalt  }
0x70: {  	_ =	shalt  }
0x71: {  	_ =	shalt  }
0x72: {  	_ =	shalt  }
0x73: {  	_ =	shalt  }
0x74: {  	_ =	shalt  }
0x75: {  	_ =	shalt  }
0x76: {  	_ =	shalt  }
0x77: {  	_ =	shalt  }
0x78: {  	_ =	shalt  }
0x79: {  	_ =	shalt  }
0x7a: {  	_ =	shalt  }
0x7b: {  	_ =	shalt  }
0x7c: {  	_ =	shalt  }
0x7d: {  	_ =	shalt  }
0x7e: {  	_ =	shalt  }
0x7f: {  	_ =	shalt  }
0x80: {  	_ =	shalt  }
0x81: {  	_ =	shalt  }
0x82: {  	_ =	shalt  }
0x83: {  	_ =	shalt  }
0x84: {  	_ =	shalt  }
0x85: {  	_ =	shalt  }
0x86: {  	_ =	shalt  }
0x87: {  	_ =	shalt  }
.Lfunc_end0:
.L_simem_size_0:
called_computation_lowered:
.L_overlay_start_0:
0x88: {  	s2 =	sld [smem:$0x3FD9]  }
0x89: {  	s3 =	sld [smem:$0x3FFE];
	_ =	sdelay $0x1  }
0x8a: {  	s1 =	srdreg.scid  }
0x8b: {  	s0 =	sand.u32 $0x1, s1  }
0x8c: {  	s18 =	sshll.u32 s0, $0xA;
	s2 =	sadd.s32 s3, s2  }
0x8d: {  	s2 =	sadd.s32 s2, s18  }
0x8e: {  	[smem:$0x3FC6] =	sst s2  }
0x8f: {  	_ = 	snop  }
0x90: {  	s2 =	sld [smem:$0x3FC9]  }
0x91: {  	s19 =	sld [smem:$0x3FC8]  }
0x92: {  	s4 =	sld [smem:$0x3FD0];
	(tm) =	ssettm $0x1  }
0x93: {  	s5 =	sld [smem:$0x3FFB];
	_ =	sdelay $0x3  }
0x94: {  	_ =	strace s5  }
0x95: {  	s5 =	sld [smem:$0x3FFC];
	_ =	sdelay $0x3  }
0x96: {  	_ =	strace s5  }
0x97: {  	s5 =	sld [smem:$0x3FFD];
	_ =	sdelay $0x3  }
0x98: {  	_ =	strace s5  }
0x99: {  	_ =	strace $0x8FFFFFFF  }
0x9a: {  	s20 =	sld [smem:$0x3FDB];
	_ =	sdelay $0x1  }
0x9b: {  	s6 =	simm.s32 $_scs_section_size  }
0x9c: {  	s7 =	simm.s32 $_size__tile_overlayer_lowered;
	s8 =	simm.s32 $_tile_overlayer_lowered  }
0x9d: {  	s23 =	simm.s32 $0x1BFF;
	s22 =	sshll.u32 s8, $0x1;
	s5 =	sadd.s32 s6, s20  }
0x9e: {  	s9 =	simm.s32 $0x0;
	s21 =	sshll.u32 s7, $0x1;
	s7 =	sadd.s32 s22, s5  }
0x9f: {  	[timem:s9], [sflag:s23] =	dma.local [hbm:s7], s21  }
0xa0: {  	_ =	swait.ge [sflag:s23], s21  }
0xa1: {  	s6 =	ssub.s32 $0x0, s21;
	[sflag:s23] =	ssyncset.done $0x0  }
0xa2: {  	[sflag:s23] =	ssyncadd.s32 s6;
	_ =	sdelay $0x1  }
0xa3: {  	s24 =	simm.s32 $0x1B8B  }
0xa4: {  	_ =	swait.ge [sflag:s24], $0x1  }
0xa5: {  	[sflag:s24] =	ssyncset.done $0x0  }
0xa6: {  	s25 =	simm.s32 $0x1B8E;
	[sflag:s24] =	ssyncadd.s32 $0xFFFFFFFF  }
0xa7: {  	s26 =	simm.s32 $execute0_lowered;
	[smem:$0x3FD2] =	sst s25  }
0xa8: {  	s6 =	sshll.u32 s26, $0x1;
	_ =	strace $0x80000046;
	[dreg:$0x1] =	wrdreg $0xFFFFFFFF  }
0xa9: {  	s28 =	simm.s32 $_size_execute0_lowered;
	s5 =	sadd.s32 s5, s6;
	[dreg:$0x0] =	wrdreg $0x0  }
0xaa: {  	s6 =	sshll.u32 s28, $0x1;
	[dreg:$0x2] =	wrdreg s5  }
0xab: {  	[dreg:$0x3] =	wrdreg s6  }
0xac: {  	[dreg:$0x4] =	wrdreg $0xC0  }
0xad: {  	_ =	task [dreg:s9], $0x5FFFF  }
0xae: {  	[dreg:$0x1] =	wrdreg $0xFFFFFFFF  }
0xaf: {  	[dreg:$0x0] =	wrdreg $0x60  }
0xb0: {  	[dreg:$0x2] =	wrdreg s2  }
0xb1: {  	[dreg:$0x3] =	wrdreg s19  }
0xb2: {  	[dreg:$0x4] =	wrdreg s4  }
0xb3: {  	[dreg:$0x5] =	wrdreg $0x9  }
0xb4: {  	_ =	task.clear_ibuf [dreg:s9], $0x6FFFF;
	_ =	strace $0x90000046  }
0xb5: {  	s29 =	simm.s32 $0x9;
	_ =	strace $0x80000048  }
0xb6: {  	_ =	swait.ge [sflag:s29], $0x1  }
0xb7: {  	[sflag:s29] =	ssyncadd.s32 $0xFFFFFFFF  }
0xb8: {  	_ =	strace $0x90000048  }
0xb9: {  	_ =	sfence  }
0xba: {  	s30 =	sld [smem:$0x0];
	_ =	sdelay $0x2  }
0xbb: {  	s31 =	sshll.u32 s1, $0xD;
	s1 =	sshrl.u32 s1, $0x2  }
0xbc: {  	s3 =	sand.u32 $0x4000, s31;
	s1 =	sadd.s32 s1, s30  }
0xbd: {  	s0 =	sor.u32 s3, s0;
	s1 =	sshll.u32 s1, $0x11  }
0xbe: {  	s0 =	sor.u32 s1, s0  }
0xbf: {  	s0 =	sadd.s32 $0x8F2B, s0  }
0xc0: {  	[sflag:s0] =	ssyncadd.remote.s32 $0x1  }
0xc1: {  	_ =	sfence.sel $0xFFFF  }
0xc2: {  	[dreg:$0x0] =	wrdreg $0xFFFFFFFF;
	(pc) =	sbr.abs _section_cstart, $3  }
0xc3: {  	[dreg:$0x1] =	wrdreg $0xFFFFFFFF  }
0xc4: {  	_ =	task.clear_ibuf [dreg:s9], $0x2FFFF;
	_ =	strace $0x9FFFFFFF  }
0xc5: {  	(tm) =	ssettm $0x7FFFFFFF  }
tec
execute0_lowered:
.L_overlay_start_1:
0x0: {  	(tag) =	ssettag $0x1  }
0x1: {  	s1 =	rddreg [dreg:$0x0]  }
0x2: {  	s0 =	rddreg [dreg:$0x1]  }
0x3: {  	s3 =	rddreg [dreg:$0x2]  }
0x4: {  	s2 =	srdreg.scid;
	s5 =	stileid.u32  }
0x5: {  	s4 =	simm.s32 $0x0;
	s10 =	simm.s32 $0x11;
	s28 =	simm.s32 $0x13100  }
0x6: {  	s29 =	simm.s32 $0x13900;
	s30 =	simm.s32 $0x14100;
	s31 =	simm.s32 $0x14900  }
0x7: {  	s11 =	simm.s32 $0xB;
	s12 =	simm.s32 $0xC;
	s13 =	simm.s32 $0xD  }
0x8: {  	s14 =	simm.s32 $0xE;
	s15 =	simm.s32 $0xF;
	s16 =	simm.s32 $0x10  }
0x9: {  	s17 =	simm.s32 $0x0;
	s2 =	sand.u32 $0x1, s2;
	s5 =	sshll.u32 s5, $0x9  }
0xa: {  	[smem:$0x7FF] =	sst s4;
	s6 =	sshll.u32 s2, $0x8;
	s2 =	ssub.s32 $0x2, s2  }
0xb: {  	s8 =	sadd.s32 $0x200, s1;
	s5 =	sor.u32 s6, s5;
	s26 =	sshrl.u32 s2, $0x1  }
0xc: {  	v2 =	vlaneseq.u32;
	_ =	strace $0x80000047;
	s7 =	sshrl.u32 s5, $0x3;
	s2 =	ssub.s32 s2, s26  }
0xd: {  	vm0 =	vmmov $0xffff;
	v1 =	vshrl.u32 v2, $0x3;
	s26 =	simm.s32 $0x12900;
	s6 =	sadd.s32 s0, s7;
	s7 =	sadd.s32 $0x100, s1  }
0xe: {  	v0 =	vand.u32 $0x7, v2;
	v2 =	vor.u32 $0x8, v2;
	v1 =	vmul.u32 $0x8, v1;
	s9 =	smax.u32 s2, $0x1;
	s0 =	simm.s32 $0x9;
	s2 =	simm.s32 $0xA  }
.LBB2_1:
0xf: {  	[tilespmem:s4], [sflag:$0x11] =	stream.linear.gather [hbm4b:s6+s4], $0x100, $0x38;
	[tilespmem:$0x18100] =	vst v63  }
0x10: {  	_ =	swait.ge [sflag:s10], $0x100  }
0x11: {  	[sflag:s10] =	ssyncset.done $0x0  }
0x12: {  	[sflag:s10] =	ssyncadd.s32 $0xFFFFFF00  }
0x13: {  	v3 =	vld [tilespmem:$0x0];
	_ =	sdelay $0x4  }
0x14: {  	v4 =	vshrl.u32 v3, $0x3  }
0x15: {  	v4 =	vmul.u32 $0x30, v4  }
0x16: {  	v3 =	vand.u32 $0x7, v3  }
0x17: {  	v3 =	vor.u32 v3, v4  }
0x18: {  	v4 =	vperm.xlane v3, v0;
	_ =	sdelay $0x1  }
0x19: {  	v4 =	vadd.s32 v1, v4;
	_ =	sdelay $0x3  }
0x1a: {  	s18 =	simm.s32 $0x100;
	v3 =	vperm.xlane v3, v2  }
0x1b: {  	[tilespmem:s18], [sflag:$0x1] =	stream.indirect_vreg.gather [hbm4b:s1+s4], $0x80, v4, vm0, $0xb8;
	[tilespmem:$0x18100] =	vst v63  }
0x1c: {  	s25 =	simm.s32 $0x900;
	v3 =	vadd.s32 v1, v3  }
0x1d: {  	[tilespmem:s25], [sflag:$0x1] =	stream.indirect_vreg.gather [hbm4b:s7+s4], $0x80, v4, vm0, $0xb8;
	[tilespmem:$0x18100] =	vst v63  }
0x1e: {  	s19 =	simm.s32 $0x1100  }
0x1f: {  	[tilespmem:s19], [sflag:$0x1] =	stream.indirect_vreg.gather [hbm4b:s8+s4], $0x80, v4, vm0, $0xb8;
	[tilespmem:$0x18100] =	vst v63  }
0x20: {  	s20 =	simm.s32 $0x1900  }
0x21: {  	[tilespmem:s20], [sflag:$0x1] =	stream.indirect_vreg.gather [hbm4b:s1+s4], $0x80, v3, vm0, $0xb8;
	[tilespmem:$0x18100] =	vst v63  }
0x22: {  	s21 =	simm.s32 $0x2100  }
0x23: {  	[tilespmem:s21], [sflag:$0x1] =	stream.indirect_vreg.gather [hbm4b:s7+s4], $0x80, v3, vm0, $0xb8;
	[tilespmem:$0x18100] =	vst v63  }
0x24: {  	s22 =	simm.s32 $0x2900  }
0x25: {  	[tilespmem:s22], [sflag:$0x1] =	stream.indirect_vreg.gather [hbm4b:s8+s4], $0x80, v3, vm0, $0xb8;
	[tilespmem:$0x18100] =	vst v63  }
0x26: {  	v3 =	vld [tilespmem:$0x10];
	_ =	sdelay $0x4  }
0x27: {  	v58 =	vshrl.u32 v3, $0x3  }
0x28: {  	v4 =	vmul.u32 $0x30, v58  }
0x29: {  	v3 =	vand.u32 $0x7, v3  }
0x2a: {  	v3 =	vor.u32 v3, v4  }
0x2b: {  	v4 =	vperm.xlane v3, v0;
	_ =	sdelay $0x1  }
0x2c: {  	v4 =	vadd.s32 v1, v4;
	_ =	sdelay $0x3  }
0x2d: {  	s23 =	simm.s32 $0x3100;
	v3 =	vperm.xlane v3, v2  }
0x2e: {  	[tilespmem:s23], [sflag:$0x2] =	stream.indirect_vreg.gather [hbm4b:s1+s4], $0x80, v4, vm0, $0xb8;
	[tilespmem:$0x18100] =	vst v63  }
0x2f: {  	s24 =	simm.s32 $0x3900;
	v3 =	vadd.s32 v1, v3  }
0x30: {  	[tilespmem:s24], [sflag:$0x2] =	stream.indirect_vreg.gather [hbm4b:s7+s4], $0x80, v4, vm0, $0xb8;
	[tilespmem:$0x18100] =	vst v63  }
0x31: {  	s25 =	simm.s32 $0x4100  }
0x32: {  	[tilespmem:s25], [sflag:$0x2] =	stream.indirect_vreg.gather [hbm4b:s8+s4], $0x80, v4, vm0, $0xb8;
	[tilespmem:$0x18100] =	vst v63  }
0x33: {  	s19 =	simm.s32 $0x4900  }
0x34: {  	[tilespmem:s19], [sflag:$0x2] =	stream.indirect_vreg.gather [hbm4b:s1+s4], $0x80, v3, vm0, $0xb8;
	[tilespmem:$0x18100] =	vst v63  }
0x35: {  	s20 =	simm.s32 $0x5100  }
0x36: {  	[tilespmem:s20], [sflag:$0x2] =	stream.indirect_vreg.gather [hbm4b:s7+s4], $0x80, v3, vm0, $0xb8;
	[tilespmem:$0x18100] =	vst v63  }
0x37: {  	s21 =	simm.s32 $0x5900  }
0x38: {  	[tilespmem:s21], [sflag:$0x2] =	stream.indirect_vreg.gather [hbm4b:s8+s4], $0x80, v3, vm0, $0xb8;
	[tilespmem:$0x18100] =	vst v63  }
0x39: {  	v3 =	vld [tilespmem:$0x20];
	_ =	sdelay $0x4  }
0x3a: {  	v59 =	vshrl.u32 v3, $0x3  }
0x3b: {  	v4 =	vmul.u32 $0x30, v59  }
0x3c: {  	v3 =	vand.u32 $0x7, v3  }
0x3d: {  	v3 =	vor.u32 v3, v4  }
0x3e: {  	v4 =	vperm.xlane v3, v0;
	_ =	sdelay $0x1  }
0x3f: {  	v4 =	vadd.s32 v1, v4;
	_ =	sdelay $0x3  }
0x40: {  	s22 =	simm.s32 $0x6100;
	v3 =	vperm.xlane v3, v2  }
0x41: {  	[tilespmem:s22], [sflag:$0x3] =	stream.indirect_vreg.gather [hbm4b:s1+s4], $0x80, v4, vm0, $0xb8;
	[tilespmem:$0x18100] =	vst v63  }
0x42: {  	s23 =	simm.s32 $0x6900;
	v3 =	vadd.s32 v1, v3  }
0x43: {  	[tilespmem:s23], [sflag:$0x3] =	stream.indirect_vreg.gather [hbm4b:s7+s4], $0x80, v4, vm0, $0xb8;
	[tilespmem:$0x18100] =	vst v63  }
0x44: {  	s24 =	simm.s32 $0x7100  }
0x45: {  	[tilespmem:s24], [sflag:$0x3] =	stream.indirect_vreg.gather [hbm4b:s8+s4], $0x80, v4, vm0, $0xb8;
	[tilespmem:$0x18100] =	vst v63  }
0x46: {  	s25 =	simm.s32 $0x7900  }
0x47: {  	[tilespmem:s25], [sflag:$0x3] =	stream.indirect_vreg.gather [hbm4b:s1+s4], $0x80, v3, vm0, $0xb8;
	[tilespmem:$0x18100] =	vst v63  }
0x48: {  	s19 =	simm.s32 $0x8100  }
0x49: {  	[tilespmem:s19], [sflag:$0x3] =	stream.indirect_vreg.gather [hbm4b:s7+s4], $0x80, v3, vm0, $0xb8;
	[tilespmem:$0x18100] =	vst v63  }
0x4a: {  	s20 =	simm.s32 $0x8900  }
0x4b: {  	[tilespmem:s20], [sflag:$0x3] =	stream.indirect_vreg.gather [hbm4b:s8+s4], $0x80, v3, vm0, $0xb8;
	[tilespmem:$0x18100] =	vst v63  }
0x4c: {  	v3 =	vld [tilespmem:$0x30];
	_ =	sdelay $0x4  }
0x4d: {  	v60 =	vshrl.u32 v3, $0x3  }
0x4e: {  	v4 =	vmul.u32 $0x30, v60  }
0x4f: {  	v3 =	vand.u32 $0x7, v3  }
0x50: {  	v3 =	vor.u32 v3, v4  }
0x51: {  	v4 =	vperm.xlane v3, v0;
	_ =	sdelay $0x1  }
0x52: {  	v4 =	vadd.s32 v1, v4;
	_ =	sdelay $0x3  }
0x53: {  	s21 =	simm.s32 $0x9100;
	v3 =	vperm.xlane v3, v2  }
0x54: {  	[tilespmem:s21], [sflag:$0x4] =	stream.indirect_vreg.gather [hbm4b:s1+s4], $0x80, v4, vm0, $0xb8;
	[tilespmem:$0x18100] =	vst v63  }
0x55: {  	s22 =	simm.s32 $0x9900;
	v3 =	vadd.s32 v1, v3  }
0x56: {  	[tilespmem:s22], [sflag:$0x4] =	stream.indirect_vreg.gather [hbm4b:s7+s4], $0x80, v4, vm0, $0xb8;
	[tilespmem:$0x18100] =	vst v63  }
0x57: {  	s23 =	simm.s32 $0xA100  }
0x58: {  	[tilespmem:s23], [sflag:$0x4] =	stream.indirect_vreg.gather [hbm4b:s8+s4], $0x80, v4, vm0, $0xb8;
	[tilespmem:$0x18100] =	vst v63  }
0x59: {  	s24 =	simm.s32 $0xA900  }
0x5a: {  	[tilespmem:s24], [sflag:$0x4] =	stream.indirect_vreg.gather [hbm4b:s1+s4], $0x80, v3, vm0, $0xb8;
	[tilespmem:$0x18100] =	vst v63  }
0x5b: {  	s25 =	simm.s32 $0xB100  }
0x5c: {  	[tilespmem:s25], [sflag:$0x4] =	stream.indirect_vreg.gather [hbm4b:s7+s4], $0x80, v3, vm0, $0xb8;
	[tilespmem:$0x18100] =	vst v63  }
0x5d: {  	s19 =	simm.s32 $0xB900  }
0x5e: {  	[tilespmem:s19], [sflag:$0x4] =	stream.indirect_vreg.gather [hbm4b:s8+s4], $0x80, v3, vm0, $0xb8;
	[tilespmem:$0x18100] =	vst v63  }
0x5f: {  	v3 =	vld [tilespmem:$0x40];
	_ =	sdelay $0x4  }
0x60: {  	v61 =	vshrl.u32 v3, $0x3  }
0x61: {  	v4 =	vmul.u32 $0x30, v61  }
0x62: {  	v3 =	vand.u32 $0x7, v3  }
0x63: {  	v3 =	vor.u32 v3, v4  }
0x64: {  	v4 =	vperm.xlane v3, v0;
	_ =	sdelay $0x1  }
0x65: {  	v4 =	vadd.s32 v1, v4;
	_ =	sdelay $0x3  }
0x66: {  	s20 =	simm.s32 $0xC100;
	v3 =	vperm.xlane v3, v2  }
0x67: {  	[tilespmem:s20], [sflag:$0x5] =	stream.indirect_vreg.gather [hbm4b:s1+s4], $0x80, v4, vm0, $0xb8;
	[tilespmem:$0x18100] =	vst v63  }
0x68: {  	s21 =	simm.s32 $0xC900;
	v3 =	vadd.s32 v1, v3  }
0x69: {  	[tilespmem:s21], [sflag:$0x5] =	stream.indirect_vreg.gather [hbm4b:s7+s4], $0x80, v4, vm0, $0xb8;
	[tilespmem:$0x18100] =	vst v63  }
0x6a: {  	s22 =	simm.s32 $0xD100  }
0x6b: {  	[tilespmem:s22], [sflag:$0x5] =	stream.indirect_vreg.gather [hbm4b:s8+s4], $0x80, v4, vm0, $0xb8;
	[tilespmem:$0x18100] =	vst v63  }
0x6c: {  	s23 =	simm.s32 $0xD900  }
0x6d: {  	[tilespmem:s23], [sflag:$0x5] =	stream.indirect_vreg.gather [hbm4b:s1+s4], $0x80, v3, vm0, $0xb8;
	[tilespmem:$0x18100] =	vst v63  }
0x6e: {  	s24 =	simm.s32 $0xE100  }
0x6f: {  	[tilespmem:s24], [sflag:$0x5] =	stream.indirect_vreg.gather [hbm4b:s7+s4], $0x80, v3, vm0, $0xb8;
	[tilespmem:$0x18100] =	vst v63  }
0x70: {  	s25 =	simm.s32 $0xE900  }
0x71: {  	[tilespmem:s25], [sflag:$0x5] =	stream.indirect_vreg.gather [hbm4b:s8+s4], $0x80, v3, vm0, $0xb8;
	[tilespmem:$0x18100] =	vst v63  }
0x72: {  	v3 =	vld [tilespmem:$0x50];
	_ =	sdelay $0x4  }
0x73: {  	v62 =	vshrl.u32 v3, $0x3  }
0x74: {  	v4 =	vmul.u32 $0x30, v62  }
0x75: {  	v3 =	vand.u32 $0x7, v3  }
0x76: {  	v3 =	vor.u32 v3, v4  }
0x77: {  	v4 =	vperm.xlane v3, v0;
	_ =	sdelay $0x1  }
0x78: {  	v4 =	vadd.s32 v1, v4;
	_ =	sdelay $0x3  }
0x79: {  	s19 =	simm.s32 $0xF100;
	v3 =	vperm.xlane v3, v2  }
0x7a: {  	[tilespmem:s19], [sflag:$0x6] =	stream.indirect_vreg.gather [hbm4b:s1+s4], $0x80, v4, vm0, $0xb8;
	[tilespmem:$0x18100] =	vst v63  }
0x7b: {  	s20 =	simm.s32 $0xF900;
	v3 =	vadd.s32 v1, v3  }
0x7c: {  	[tilespmem:s20], [sflag:$0x6] =	stream.indirect_vreg.gather [hbm4b:s7+s4], $0x80, v4, vm0, $0xb8;
	[tilespmem:$0x18100] =	vst v63  }
0x7d: {  	s21 =	simm.s32 $0x10100  }
0x7e: {  	[tilespmem:s21], [sflag:$0x6] =	stream.indirect_vreg.gather [hbm4b:s8+s4], $0x80, v4, vm0, $0xb8;
	[tilespmem:$0x18100] =	vst v63  }
0x7f: {  	s22 =	simm.s32 $0x10900  }
0x80: {  	[tilespmem:s22], [sflag:$0x6] =	stream.indirect_vreg.gather [hbm4b:s1+s4], $0x80, v3, vm0, $0xb8;
	[tilespmem:$0x18100] =	vst v63  }
0x81: {  	s23 =	simm.s32 $0x11100  }
0x82: {  	[tilespmem:s23], [sflag:$0x6] =	stream.indirect_vreg.gather [hbm4b:s7+s4], $0x80, v3, vm0, $0xb8;
	[tilespmem:$0x18100] =	vst v63  }
0x83: {  	s24 =	simm.s32 $0x11900  }
0x84: {  	[tilespmem:s24], [sflag:$0x6] =	stream.indirect_vreg.gather [hbm4b:s8+s4], $0x80, v3, vm0, $0xb8;
	[tilespmem:$0x18100] =	vst v63  }
0x85: {  	v3 =	vld [tilespmem:$0x60];
	_ =	sdelay $0x4  }
0x86: {  	v63 =	vshrl.u32 v3, $0x3  }
0x87: {  	v4 =	vmul.u32 $0x30, v63  }
0x88: {  	v3 =	vand.u32 $0x7, v3  }
0x89: {  	v3 =	vor.u32 v3, v4  }
0x8a: {  	v4 =	vperm.xlane v3, v0;
	_ =	sdelay $0x1  }
0x8b: {  	v4 =	vadd.s32 v1, v4;
	_ =	sdelay $0x3  }
0x8c: {  	s25 =	simm.s32 $0x12100;
	v3 =	vperm.xlane v3, v2  }
0x8d: {  	[tilespmem:s25], [sflag:$0x7] =	stream.indirect_vreg.gather [hbm4b:s1+s4], $0x80, v4, vm0, $0xb8;
	[tilespmem:$0x18100] =	vst v63  }
0x8e: {  	v3 =	vadd.s32 v1, v3  }
0x8f: {  	[tilespmem:s26], [sflag:$0x7] =	stream.indirect_vreg.gather [hbm4b:s7+s4], $0x80, v4, vm0, $0xb8;
	[tilespmem:$0x18100] =	vst v63  }
0x90: {  	_ = 	snop  }
0x91: {  	[tilespmem:s28], [sflag:$0x7] =	stream.indirect_vreg.gather [hbm4b:s8+s4], $0x80, v4, vm0, $0xb8;
	[tilespmem:$0x18100] =	vst v63  }
0x92: {  	_ = 	snop  }
0x93: {  	[tilespmem:s29], [sflag:$0x7] =	stream.indirect_vreg.gather [hbm4b:s1+s4], $0x80, v3, vm0, $0xb8;
	[tilespmem:$0x18100] =	vst v63  }
0x94: {  	_ = 	snop  }
0x95: {  	[tilespmem:s30], [sflag:$0x7] =	stream.indirect_vreg.gather [hbm4b:s7+s4], $0x80, v3, vm0, $0xb8;
	[tilespmem:$0x18100] =	vst v63  }
0x96: {  	s18 =	simm.s32 $0x0  }
0x97: {  	[tilespmem:s31], [sflag:$0x7] =	stream.indirect_vreg.gather [hbm4b:s8+s4], $0x80, v3, vm0, $0xb8;
	[tilespmem:$0x18100] =	vst v63  }
.LBB2_2:
0x98: {  	s19 =	sand.u32 $0x7, s18  }
0x99: {  	s21 =	simm.s32 $0x0;
	s20 =	smul.u32 $0xC000, s19  }
0x9a: {  	s21 =	smul.u32 $0x6000, s21  }
0x9b: {  	s22 =	simm.s32 $0x0;
	s23 =	sadd.s32 $0x1, s19;
	s20 =	sshrl.u32 s20, $0x2  }
0x9c: {  	_ =	swait.ge [sflag:s23], $0x3000;
	s21 =	sshra.s32 s21, $0x2;
	s20 =	sor.u32 $0x100, s20  }
0x9d: {  	s24 =	sand.u32 $0x380, s22;
	[sflag:s23] =	ssyncset.done $0x0;
	s21 =	sadd.s32 s21, s20  }
0x9e: {  	[sflag:s23] =	ssyncadd.s32 $0xFFFFD000;
	s21 =	sadd.s32 s24, s21  }
0x9f: {  	v3 =	vld [tilespmem:s21+$0x0]  }
0xa0: {  	v4 =	vld [tilespmem:s21+$0x10]  }
0xa1: {  	v5 =	vld [tilespmem:s21+$0x20]  }
0xa2: {  	v6 =	vld [tilespmem:s21+$0x30]  }
0xa3: {  	v7 =	vld [tilespmem:s21+$0x40]  }
0xa4: {  	v8 =	vld [tilespmem:s21+$0x50];
	v3 =	vmul.f32 $2.771281240e+01, v3  }
0xa5: {  	v9 =	vld [tilespmem:s21+$0x60];
	v4 =	vmul.f32 $2.771281240e+01, v4  }
0xa6: {  	[tilespmem:s21+$0x0] =	vst v3;
	v3 =	vmul.f32 $2.771281240e+01, v5;
	v5 =	vld [tilespmem:s21+$0x70]  }
0xa7: {  	[tilespmem:s21+$0x10] =	vst v4;
	v4 =	vmul.f32 $2.771281240e+01, v6;
	v6 =	vld [tilespmem:s21+$0x400]  }
0xa8: {  	[tilespmem:s21+$0x20] =	vst v3;
	v3 =	vmul.f32 $2.771281240e+01, v7;
	v7 =	vld [tilespmem:s21+$0x410]  }
0xa9: {  	[tilespmem:s21+$0x30] =	vst v4;
	v4 =	vmul.f32 $2.771281240e+01, v8;
	v8 =	vld [tilespmem:s21+$0x420]  }
0xaa: {  	[tilespmem:s21+$0x40] =	vst v3;
	v3 =	vmul.f32 $2.771281240e+01, v9;
	v9 =	vld [tilespmem:s21+$0x430]  }
0xab: {  	[tilespmem:s21+$0x50] =	vst v4;
	v4 =	vmul.f32 $2.771281240e+01, v5;
	v5 =	vld [tilespmem:s21+$0x440]  }
0xac: {  	[tilespmem:s21+$0x60] =	vst v3;
	v3 =	vmul.f32 $2.771281240e+01, v6;
	v6 =	vld [tilespmem:s21+$0x450]  }
0xad: {  	[tilespmem:s21+$0x70] =	vst v4;
	v4 =	vmul.f32 $2.771281240e+01, v7;
	v7 =	vld [tilespmem:s21+$0x460]  }
0xae: {  	[tilespmem:s21+$0x400] =	vst v3;
	v3 =	vmul.f32 $2.771281240e+01, v8;
	v8 =	vld [tilespmem:s21+$0x470]  }
0xaf: {  	[tilespmem:s21+$0x410] =	vst v4;
	v4 =	vmul.f32 $2.771281240e+01, v9;
	v9 =	vld [tilespmem:s21+$0x800]  }
0xb0: {  	[tilespmem:s21+$0x420] =	vst v3;
	v3 =	vmul.f32 $2.771281240e+01, v5;
	v5 =	vld [tilespmem:s21+$0x810]  }
0xb1: {  	[tilespmem:s21+$0x430] =	vst v4;
	v4 =	vmul.f32 $2.771281240e+01, v6;
	v6 =	vld [tilespmem:s21+$0x820]  }
0xb2: {  	[tilespmem:s21+$0x440] =	vst v3;
	v3 =	vmul.f32 $2.771281240e+01, v7;
	v7 =	vld [tilespmem:s21+$0x830]  }
0xb3: {  	[tilespmem:s21+$0x450] =	vst v4;
	v4 =	vmul.f32 $2.771281240e+01, v8;
	v8 =	vld [tilespmem:s21+$0x840]  }
0xb4: {  	[tilespmem:s21+$0x460] =	vst v3;
	v3 =	vmul.f32 $2.771281240e+01, v9;
	v9 =	vld [tilespmem:s21+$0x850]  }
0xb5: {  	[tilespmem:s21+$0x470] =	vst v4;
	v4 =	vmul.f32 $2.771281240e+01, v5;
	v5 =	vld [tilespmem:s21+$0x860]  }
0xb6: {  	[tilespmem:s21+$0x800] =	vst v3;
	v3 =	vmul.f32 $2.771281240e+01, v6;
	v6 =	vld [tilespmem:s21+$0x870]  }
0xb7: {  	[tilespmem:s21+$0x810] =	vst v4;
	v4 =	vmul.f32 $2.771281240e+01, v7;
	v7 =	vld [tilespmem:s21+$0xC00]  }
0xb8: {  	[tilespmem:s21+$0x820] =	vst v3;
	v3 =	vmul.f32 $2.771281240e+01, v8;
	v8 =	vld [tilespmem:s21+$0xC10]  }
0xb9: {  	[tilespmem:s21+$0x830] =	vst v4;
	v4 =	vmul.f32 $2.771281240e+01, v9;
	v9 =	vld [tilespmem:s21+$0xC20]  }
0xba: {  	[tilespmem:s21+$0x840] =	vst v3;
	v3 =	vmul.f32 $2.771281240e+01, v5;
	v5 =	vld [tilespmem:s21+$0xC30]  }
0xbb: {  	[tilespmem:s21+$0x850] =	vst v4;
	v4 =	vmul.f32 $2.771281240e+01, v6;
	v6 =	vld [tilespmem:s21+$0xC40]  }
0xbc: {  	[tilespmem:s21+$0x860] =	vst v3;
	v3 =	vmul.f32 $2.771281240e+01, v7;
	v7 =	vld [tilespmem:s21+$0xC50]  }
0xbd: {  	[tilespmem:s21+$0x870] =	vst v4;
	v4 =	vmul.f32 $2.771281240e+01, v8;
	v8 =	vld [tilespmem:s21+$0xC60]  }
0xbe: {  	[tilespmem:s21+$0xC00] =	vst v3;
	v3 =	vmul.f32 $2.771281240e+01, v9;
	v9 =	vld [tilespmem:s21+$0xC70]  }
0xbf: {  	[tilespmem:s21+$0xC10] =	vst v4;
	v4 =	vmul.f32 $2.771281240e+01, v5;
	v5 =	vld [tilespmem:s21+$0x1000]  }
0xc0: {  	[tilespmem:s21+$0xC20] =	vst v3;
	v3 =	vmul.f32 $2.771281240e+01, v6;
	v6 =	vld [tilespmem:s21+$0x1010]  }
0xc1: {  	v10 =	vld [tilespmem:s21+$0x1020];
	[tilespmem:s21+$0xC30] =	vst v4;
	v4 =	vmul.f32 $2.771281240e+01, v7  }
0xc2: {  	[tilespmem:s21+$0xC40] =	vst v3;
	v3 =	vmul.f32 $2.771281240e+01, v8;
	v8 =	vld [tilespmem:s21+$0x1030]  }
0xc3: {  	v11 =	vld [tilespmem:s21+$0x1040];
	[tilespmem:s21+$0xC50] =	vst v4;
	v4 =	vmul.f32 $2.771281240e+01, v9  }
0xc4: {  	v7 =	vld [tilespmem:s21+$0x1050];
	[tilespmem:s21+$0xC60] =	vst v3;
	v3 =	vmul.f32 $2.771281240e+01, v5  }
0xc5: {  	v5 =	vld [tilespmem:s21+$0x1060];
	[tilespmem:s21+$0xC70] =	vst v4;
	v4 =	vmul.f32 $2.771281240e+01, v6  }
0xc6: {  	v6 =	vld [tilespmem:s21+$0x1070];
	[tilespmem:s21+$0x1000] =	vst v3;
	v3 =	vmul.f32 $2.771281240e+01, v10  }
0xc7: {  	[tilespmem:s21+$0x1010] =	vst v4;
	v4 =	vld [tilespmem:s21+$0x1400];
	v9 =	vmul.f32 $2.771281240e+01, v8  }
0xc8: {  	s23 =	simm.s32 $0x1;
	v8 =	vmul.f32 $2.771281240e+01, v11;
	[tilespmem:s21+$0x1020] =	vst v3;
	v3 =	vld [tilespmem:s21+$0x1410]  }
.LBB2_3:
0xc9: {  	s24 =	sshrl.u32 s23, $0x3;
	p0 =	sne.s32 s23, $0xF;
	[tilespmem:s21+$0x1030] =	vst v9;
	v7 =	vmul.f32 $2.771281240e+01, v7;
	v9 =	vld [tilespmem:s21+$0x1420]  }
0xca: {  	s24 =	smul.u32 $0x6000, s24;
	[tilespmem:s21+$0x1040] =	vst v8;
	v5 =	vmul.f32 $2.771281240e+01, v5;
	v8 =	vld [tilespmem:s21+$0x1430]  }
0xcb: {  	[tilespmem:s21+$0x1050] =	vst v7;
	v6 =	vmul.f32 $2.771281240e+01, v6;
	v7 =	vld [tilespmem:s21+$0x1440]  }
0xcc: {  	s22 =	sadd.s32 $0x80, s22;
	s24 =	sshra.s32 s24, $0x2;
	[tilespmem:s21+$0x1060] =	vst v5;
	v4 =	vmul.f32 $2.771281240e+01, v4;
	v5 =	vld [tilespmem:s21+$0x1450]  }
0xcd: {  	s25 =	sand.u32 $0x380, s22;
	s24 =	sadd.s32 s24, s20;
	[tilespmem:s21+$0x1070] =	vst v6;
	v3 =	vmul.f32 $2.771281240e+01, v3;
	v6 =	vld [tilespmem:s21+$0x1460]  }
0xce: {  	s24 =	sadd.s32 s25, s24;
	[tilespmem:s21+$0x1400] =	vst v4;
	v4 =	vmul.f32 $2.771281240e+01, v9;
	v9 =	vld [tilespmem:s21+$0x1470]  }
0xcf: {  	v10 =	vld [tilespmem:s24+$0x0];
	[tilespmem:s21+$0x1410] =	vst v3;
	v3 =	vmul.f32 $2.771281240e+01, v8  }
0xd0: {  	v8 =	vld [tilespmem:s24+$0x10];
	[tilespmem:s21+$0x1420] =	vst v4;
	v4 =	vmul.f32 $2.771281240e+01, v7  }
0xd1: {  	v7 =	vld [tilespmem:s24+$0x20];
	[tilespmem:s21+$0x1430] =	vst v3;
	v3 =	vmul.f32 $2.771281240e+01, v5  }
0xd2: {  	v5 =	vld [tilespmem:s24+$0x30];
	[tilespmem:s21+$0x1440] =	vst v4;
	v4 =	vmul.f32 $2.771281240e+01, v6  }
0xd3: {  	v6 =	vld [tilespmem:s24+$0x40];
	[tilespmem:s21+$0x1450] =	vst v3;
	v3 =	vmul.f32 $2.771281240e+01, v9  }
0xd4: {  	v9 =	vmul.f32 $2.771281240e+01, v10;
	v10 =	vld [tilespmem:s24+$0x50];
	[tilespmem:s21+$0x1460] =	vst v4  }
0xd5: {  	v4 =	vmul.f32 $2.771281240e+01, v8;
	v8 =	vld [tilespmem:s24+$0x60];
	[tilespmem:s21+$0x1470] =	vst v3;
	s21 =	smov.u32 s24  }
0xd6: {  	[tilespmem:s21+$0x0] =	vst v9;
	v3 =	vmul.f32 $2.771281240e+01, v7;
	v7 =	vld [tilespmem:s21+$0x70]  }
0xd7: {  	[tilespmem:s21+$0x10] =	vst v4;
	v4 =	vmul.f32 $2.771281240e+01, v5;
	v5 =	vld [tilespmem:s21+$0x400]  }
0xd8: {  	[tilespmem:s21+$0x20] =	vst v3;
	v3 =	vmul.f32 $2.771281240e+01, v6;
	v6 =	vld [tilespmem:s21+$0x410]  }
0xd9: {  	[tilespmem:s21+$0x30] =	vst v4;
	v4 =	vmul.f32 $2.771281240e+01, v10;
	v9 =	vld [tilespmem:s21+$0x420]  }
0xda: {  	[tilespmem:s21+$0x40] =	vst v3;
	v3 =	vmul.f32 $2.771281240e+01, v8;
	v8 =	vld [tilespmem:s21+$0x430]  }
0xdb: {  	[tilespmem:s21+$0x50] =	vst v4;
	v4 =	vmul.f32 $2.771281240e+01, v7;
	v7 =	vld [tilespmem:s21+$0x440]  }
0xdc: {  	[tilespmem:s21+$0x60] =	vst v3;
	v3 =	vmul.f32 $2.771281240e+01, v5;
	v5 =	vld [tilespmem:s21+$0x450]  }
0xdd: {  	[tilespmem:s21+$0x70] =	vst v4;
	v4 =	vmul.f32 $2.771281240e+01, v6;
	v6 =	vld [tilespmem:s21+$0x460]  }
0xde: {  	[tilespmem:s21+$0x400] =	vst v3;
	v3 =	vmul.f32 $2.771281240e+01, v9;
	v9 =	vld [tilespmem:s21+$0x470]  }
0xdf: {  	[tilespmem:s21+$0x410] =	vst v4;
	v4 =	vmul.f32 $2.771281240e+01, v8;
	v8 =	vld [tilespmem:s21+$0x800]  }
0xe0: {  	[tilespmem:s21+$0x420] =	vst v3;
	v3 =	vmul.f32 $2.771281240e+01, v7;
	v7 =	vld [tilespmem:s21+$0x810]  }
0xe1: {  	[tilespmem:s21+$0x430] =	vst v4;
	v4 =	vmul.f32 $2.771281240e+01, v5;
	v5 =	vld [tilespmem:s21+$0x820]  }
0xe2: {  	[tilespmem:s21+$0x440] =	vst v3;
	v3 =	vmul.f32 $2.771281240e+01, v6;
	v6 =	vld [tilespmem:s21+$0x830]  }
0xe3: {  	[tilespmem:s21+$0x450] =	vst v4;
	v4 =	vmul.f32 $2.771281240e+01, v9;
	v9 =	vld [tilespmem:s21+$0x840]  }
0xe4: {  	[tilespmem:s21+$0x460] =	vst v3;
	v3 =	vmul.f32 $2.771281240e+01, v8;
	v8 =	vld [tilespmem:s21+$0x850]  }
0xe5: {  	[tilespmem:s21+$0x470] =	vst v4;
	v4 =	vmul.f32 $2.771281240e+01, v7;
	v7 =	vld [tilespmem:s21+$0x860]  }
0xe6: {  	[tilespmem:s21+$0x800] =	vst v3;
	v3 =	vmul.f32 $2.771281240e+01, v5;
	v5 =	vld [tilespmem:s21+$0x870]  }
0xe7: {  	[tilespmem:s21+$0x810] =	vst v4;
	v4 =	vmul.f32 $2.771281240e+01, v6;
	v6 =	vld [tilespmem:s21+$0xC00]  }
0xe8: {  	[tilespmem:s21+$0x820] =	vst v3;
	v3 =	vmul.f32 $2.771281240e+01, v9;
	v9 =	vld [tilespmem:s21+$0xC10]  }
0xe9: {  	[tilespmem:s21+$0x830] =	vst v4;
	v4 =	vmul.f32 $2.771281240e+01, v8;
	v8 =	vld [tilespmem:s21+$0xC20]  }
0xea: {  	[tilespmem:s21+$0x840] =	vst v3;
	v3 =	vmul.f32 $2.771281240e+01, v7;
	v7 =	vld [tilespmem:s21+$0xC30]  }
0xeb: {  	[tilespmem:s21+$0x850] =	vst v4;
	v4 =	vmul.f32 $2.771281240e+01, v5;
	v5 =	vld [tilespmem:s21+$0xC40]  }
0xec: {  	[tilespmem:s21+$0x860] =	vst v3;
	v3 =	vmul.f32 $2.771281240e+01, v6;
	v6 =	vld [tilespmem:s21+$0xC50]  }
0xed: {  	[tilespmem:s21+$0x870] =	vst v4;
	v4 =	vmul.f32 $2.771281240e+01, v9;
	v9 =	vld [tilespmem:s21+$0xC60]  }
0xee: {  	[tilespmem:s21+$0xC00] =	vst v3;
	v3 =	vmul.f32 $2.771281240e+01, v8;
	v8 =	vld [tilespmem:s21+$0xC70]  }
0xef: {  	[tilespmem:s21+$0xC10] =	vst v4;
	v4 =	vmul.f32 $2.771281240e+01, v7;
	v7 =	vld [tilespmem:s21+$0x1000]  }
0xf0: {  	[tilespmem:s21+$0xC20] =	vst v3;
	v3 =	vmul.f32 $2.771281240e+01, v5;
	v5 =	vld [tilespmem:s21+$0x1010]  }
0xf1: {  	[tilespmem:s21+$0xC30] =	vst v4;
	v4 =	vmul.f32 $2.771281240e+01, v6;
	v6 =	vld [tilespmem:s21+$0x1020]  }
0xf2: {  	[tilespmem:s21+$0xC40] =	vst v3;
	v3 =	vmul.f32 $2.771281240e+01, v9;
	v9 =	vld [tilespmem:s21+$0x1030]  }
0xf3: {  	[tilespmem:s21+$0xC50] =	vst v4;
	v4 =	vmul.f32 $2.771281240e+01, v8;
	v8 =	vld [tilespmem:s21+$0x1040]  }
.Ltmp0:
0xf4: {  	[tilespmem:s21+$0xC60] =	vst v3;
	v3 =	vmul.f32 $2.771281240e+01, v7;
	v7 =	vld [tilespmem:s21+$0x1050];
	(pc) =	sbr.rel @p0 .LBB2_3-.Ltmp0, $4  }
0xf5: {  	[tilespmem:s21+$0xC70] =	vst v4;
	v4 =	vmul.f32 $2.771281240e+01, v5;
	v5 =	vld [tilespmem:s21+$0x1060]  }
0xf6: {  	[tilespmem:s21+$0x1000] =	vst v3;
	v3 =	vmul.f32 $2.771281240e+01, v6;
	v6 =	vld [tilespmem:s21+$0x1070]  }
0xf7: {  	[tilespmem:s21+$0x1010] =	vst v4;
	v9 =	vmul.f32 $2.771281240e+01, v9;
	v4 =	vld [tilespmem:s21+$0x1400]  }
0xf8: {  	s23 =	sadd.s32 $0x1, s23;
	[tilespmem:s21+$0x1020] =	vst v3;
	v8 =	vmul.f32 $2.771281240e+01, v8;
	v3 =	vld [tilespmem:s21+$0x1410]  }
0xf9: {  	[tilespmem:s21+$0x1030] =	vst v9;
	v7 =	vmul.f32 $2.771281240e+01, v7;
	v55 =	vld [tilespmem:s21+$0x1420]  }
0xfa: {  	v56 =	vld [tilespmem:s21+$0x1430];
	[tilespmem:s21+$0x1040] =	vst v8;
	v5 =	vmul.f32 $2.771281240e+01, v5  }
0xfb: {  	v57 =	vld [tilespmem:s21+$0x1440];
	[tilespmem:s21+$0x1050] =	vst v7;
	v6 =	vmul.f32 $2.771281240e+01, v6  }
0xfc: {  	v58 =	vld [tilespmem:s21+$0x1450];
	[tilespmem:s21+$0x1060] =	vst v5;
	v4 =	vmul.f32 $2.771281240e+01, v4  }
0xfd: {  	v59 =	vld [tilespmem:s21+$0x1460];
	[tilespmem:s21+$0x1070] =	vst v6;
	v3 =	vmul.f32 $2.771281240e+01, v3  }
0xfe: {  	v61 =	vld [tilespmem:s21+$0x1470];
	[tilespmem:s21+$0x1400] =	vst v4;
	v60 =	vmul.f32 $2.771281240e+01, v55  }
0xff: {  	[tilespmem:s21+$0x1410] =	vst v3;
	v3 =	vmul.f32 $2.771281240e+01, v56  }
0x100: {  	s22 =	sshll.u32 s18, $0x4;
	v62 =	vmul.f32 $2.771281240e+01, v57;
	[tilespmem:s21+$0x1420] =	vst v60  }
0x101: {  	s22 =	sadd.s32 s5, s22;
	[tilespmem:s21+$0x1430] =	vst v3;
	v3 =	vmul.f32 $2.771281240e+01, v58  }
0x102: {  	s22 =	sshrl.u32 s22, $0x3;
	v63 =	vmul.f32 $2.771281240e+01, v59;
	[tilespmem:s21+$0x1440] =	vst v62  }
0x103: {  	s22 =	smul.u32 $0x300, s22;
	[tilespmem:s21+$0x1450] =	vst v3;
	v3 =	vmul.f32 $2.771281240e+01, v61  }
0x104: {  	[tilespmem:s21+$0x1460] =	vst v63  }
0x105: {  	s19 =	sadd.s32 $0x9, s19;
	p0 =	sgt.u32 s18, $0x8;
	s25 =	sadd.s32 s3, s22;
	[tilespmem:s21+$0x1470] =	vst v3  }
0x106: {  	[hbm4b:s25+s4] =	stream.linear.scatter [tilespmem:s20], [sflag:s19], $0x3000, $0x38;
	[tilespmem:$0x18100] =	vst v63  }
0x107: {  	p1 =	seq.s32 @!p0 s18, $0x0;
	s19 =	sadd.s32 $0x7, s18  }
0x108: {  	p1 =	por p1, p0;
	s20 =	sand.u32 @!p0 $0x7, s19  }
0x109: {  	s21 =	sadd.s32 @!p1 $0x9, s20  }
0x10a: {  	_ =	swait.ge @!p1 [sflag:s21], $0x3000  }
0x10b: {  	s19 =	sshll.u32 @!p0 s19, $0x4;
	[sflag:s21] =	ssyncset.done @!p1 $0x0  }
0x10c: {  	s19 =	sand.u32 @!p0 $0x3FFFFFF0, s19;
	[sflag:s21] =	ssyncadd.s32 @!p1 $0xFFFFD000  }
0x10d: {  	v3 =	vld @!p0 [tilespmem:s19+$0x0];
	_ =	sdelay $0x4  }
0x10e: {  	v4 =	vshrl.u32 @!p0 v3, $0x3  }
0x10f: {  	v4 =	vmul.u32 @!p0 $0x30, v4  }
0x110: {  	v5 =	vlaneseq.u32 @!p0;
	v3 =	vand.u32 @!p0 $0x7, v3  }
0x111: {  	v6 =	vshrl.u32 @!p0 v5, $0x3;
	v3 =	vor.u32 @!p0 v3, v4;
	v4 =	vand.u32 @!p0 $0x7, v5  }
0x112: {  	v6 =	vmul.u32 @!p0 $0x8, v6;
	v4 =	vperm.xlane @!p0 v3, v4;
	_ =	sdelay $0x1  }
0x113: {  	v4 =	vadd.s32 @!p0 v6, v4  }
0x114: {  	s19 =	smul.u32 @!p0 $0xC000, s20;
	_ =	sdelay $0x1  }
0x115: {  	s19 =	sshrl.u32 @!p0 s19, $0x2;
	v5 =	vor.u32 @!p0 $0x8, v5  }
0x116: {  	vm1 =	vmmov @!p0 $0xffff;
	s22 =	simm.s32 @!p0 $0x0;
	s20 =	sadd.s32 @!p0 $0x1, s20;
	s21 =	sor.u32 @!p0 $0x100, s19;
	v3 =	vperm.xlane @!p0 v3, v5  }
0x117: {  	[tilespmem:s21], [sflag:s20] =	stream.indirect_vreg.gather @!p0 [hbm4b:s1+s22], $0x80, v4, vm1, $0xb8;
	[tilespmem:$0x18100] =	vst v63  }
0x118: {  	v3 =	vadd.s32 @!p0 v6, v3;
	s21 =	sor.u32 @!p0 $0x900, s19  }
0x119: {  	[tilespmem:s21], [sflag:s20] =	stream.indirect_vreg.gather @!p0 [hbm4b:s7+s22], $0x80, v4, vm1, $0xb8;
	[tilespmem:$0x18100] =	vst v63  }
0x11a: {  	s21 =	sadd.s32 @!p0 $0x1100, s19  }
0x11b: {  	[tilespmem:s21], [sflag:s20] =	stream.indirect_vreg.gather @!p0 [hbm4b:s8+s22], $0x80, v4, vm1, $0xb8;
	[tilespmem:$0x18100] =	vst v63  }
0x11c: {  	s21 =	sadd.s32 @!p0 $0x1900, s19  }
0x11d: {  	[tilespmem:s21], [sflag:s20] =	stream.indirect_vreg.gather @!p0 [hbm4b:s1+s22], $0x80, v3, vm1, $0xb8;
	[tilespmem:$0x18100] =	vst v63  }
0x11e: {  	s21 =	sadd.s32 @!p0 $0x2100, s19  }
0x11f: {  	[tilespmem:s21], [sflag:s20] =	stream.indirect_vreg.gather @!p0 [hbm4b:s7+s22], $0x80, v3, vm1, $0xb8;
	[tilespmem:$0x18100] =	vst v63  }
0x120: {  	s18 =	sadd.s32 $0x1, s18;
	s19 =	sadd.s32 @!p0 $0x2900, s19  }
0x121: {  	[tilespmem:s19], [sflag:s20] =	stream.indirect_vreg.gather @!p0 [hbm4b:s8+s22], $0x80, v3, vm1, $0xb8;
	[tilespmem:$0x18100] =	vst v63  }
0x122: {  	p0 =	sne.s32 s18, $0x10  }
.Ltmp1:
0x123: {  	_ = 	snop;
	(pc) =	sbr.rel @p0 .LBB2_2-.Ltmp1, $1  }
0x124: {  	_ =	sdelay $0x3  }
0x125: {  	_ =	swait.ge [sflag:s0], $0x3000  }
0x126: {  	[sflag:s0] =	ssyncset.done $0x0  }
0x127: {  	[sflag:s0] =	ssyncadd.s32 $0xFFFFD000  }
0x128: {  	_ =	swait.ge [sflag:s2], $0x3000  }
0x129: {  	[sflag:s2] =	ssyncset.done $0x0  }
0x12a: {  	[sflag:s2] =	ssyncadd.s32 $0xFFFFD000  }
0x12b: {  	_ =	swait.ge [sflag:s11], $0x3000  }
0x12c: {  	[sflag:s11] =	ssyncset.done $0x0  }
0x12d: {  	[sflag:s11] =	ssyncadd.s32 $0xFFFFD000  }
0x12e: {  	_ =	swait.ge [sflag:s12], $0x3000  }
0x12f: {  	[sflag:s12] =	ssyncset.done $0x0  }
0x130: {  	[sflag:s12] =	ssyncadd.s32 $0xFFFFD000  }
0x131: {  	_ =	swait.ge [sflag:s13], $0x3000  }
0x132: {  	[sflag:s13] =	ssyncset.done $0x0  }
0x133: {  	[sflag:s13] =	ssyncadd.s32 $0xFFFFD000  }
0x134: {  	_ =	swait.ge [sflag:s14], $0x3000  }
0x135: {  	[sflag:s14] =	ssyncset.done $0x0  }
0x136: {  	s17 =	sadd.s32 $0x1, s17;
	[sflag:s14] =	ssyncadd.s32 $0xFFFFD000  }
0x137: {  	p0 =	sne.s32 s17, s9;
	_ =	swait.ge [sflag:s15], $0x3000  }
.Ltmp2:
0x138: {  	[sflag:s15] =	ssyncset.done $0x0;
	(pc) =	sbr.rel @p0 .LBB2_1-.Ltmp2, $4  }
0x139: {  	[sflag:s15] =	ssyncadd.s32 $0xFFFFD000  }
0x13a: {  	_ =	swait.ge [sflag:s16], $0x3000  }
0x13b: {  	[sflag:s16] =	ssyncset.done $0x0  }
0x13c: {  	[sflag:s16] =	ssyncadd.s32 $0xFFFFD000  }
0x13d: {  	_ =	sfence.sel $0x180000  }
0x13e: {  	[bflag:$0x0] =	sbarrier.arrive $0xFFFF  }
0x13f: {  	_ =	strace $0x90000047  }
0x140: {  	s0 =	stileid.u32;
	[bflag:$0x2] =	sbarrier.arrive $0xFFFF  }
0x141: {  	p0 =	sne.s32 s0, $0x0;
	s0 =	rddreg [dreg:$0x3]  }
0x142: {  	s0 =	sadd.s32 @!p0 $0x100000, s0  }
0x143: {  	[sflag:s0] =	ssyncadd.tile.s32 @!p0 $0x1;
	_ =	shalt  }
.Lfunc_end2:
_tile_overlayer_lowered:
.L_overlay_start_2:
0x144: {  	(tag) =	ssettag $0x2  }
0x145: {  	s0 =	rddreg [dreg:$0x0];
	s2 =	stileid.u32  }
0x146: {  	s1 =	rddreg [dreg:$0x1];
	p0 =	sne.s32 s2, $0x0  }
0x147: {  	s3 =	rddreg [dreg:$0x2];
	[bflag:$0x3] =	sbarrier.arrive $0xFFFF;
	s2 =	simm.s32 @!p0 $0x1C11  }
0x148: {  	[timem:s3], [sflag:s2] =	dma.local @!p0 [hbm:s0], s1  }
0x149: {  	s0 =	simm.s32 @!p0 $0x11  }
0x14a: {  	_ =	swait.ge @!p0 [sflag:s0], s1  }
0x14b: {  	s1 =	ssub.s32 @!p0 $0x0, s1;
	[sflag:s0] =	ssyncset.done @!p0 $0x0  }
0x14c: {  	[sflag:s0] =	ssyncadd.s32 @!p0 s1  }
0x14d: {  	[bflag:$0x3] =	sbarrier.arrive $0xFFFF  }
0x14e: {  	_ =	shalt  }

</sc_bundles>
